<compile_context>
chip_gen: v7x
topology: tpu7x:2x2x1
jax: 0.10.2.dev20260603
libtpu: 0.0.44.dev20260713+nightly
codegen_flags: <defaults>
</compile_context>

<pallas_src>
import functools

import jax
import jax.numpy as jnp
from jax import lax
from jax.experimental import pallas as pl
from jax.experimental.pallas import tpu as pltpu
from jax.experimental.pallas import tpu_sc as plsc

S, C, NE, DFF = 2048, 768, 8, 3072
BLK = 128
NBLK_MAX = S // BLK + NE
P = NBLK_MAX * BLK
DBLK = 1536
ND = DFF // DBLK
NC, NS = 2, 16
NW = NC * NS
BPW = P // NW



def _router_body(x_ref, wg_ref, inv_ref, w_ref, nblk_ref, boff_ref, aux_ref):
    xv = x_ref[...]
    logits = jnp.dot(xv, wg_ref[...], preferred_element_type=jnp.float32)
    m = jnp.max(logits, axis=-1, keepdims=True)
    p = jnp.exp(logits - m)
    probs = p / jnp.sum(p, axis=-1, keepdims=True)
    w = jnp.max(probs, axis=-1, keepdims=True)
    idx = jnp.argmax(probs, axis=-1).astype(jnp.int32).reshape(S, 1)
    w_ref[...] = jnp.broadcast_to(w, (S, 128))
    oh = (idx == lax.broadcasted_iota(jnp.int32, (1, NE), 1)
          ).astype(jnp.float32)
    G, GS = 16, 128
    lt_incl = (lax.broadcasted_iota(jnp.int32, (GS, GS), 0)
               >= lax.broadcasted_iota(jnp.int32, (GS, GS), 1)
               ).astype(jnp.float32)
    pieces, tots = [], []
    for g in range(G):
        blk = lax.slice(oh, (g * GS, 0), ((g + 1) * GS, NE))
        pg = jnp.dot(lt_incl, blk, preferred_element_type=jnp.float32)
        pieces.append(pg)
        tots.append(lax.slice(pg, (GS - 1, 0), (GS, NE)))
    totals = jnp.concatenate(tots, axis=0)
    lt_excl = (lax.broadcasted_iota(jnp.int32, (G, G), 0)
               > lax.broadcasted_iota(jnp.int32, (G, G), 1)
               ).astype(jnp.float32)
    cumg = jnp.dot(lt_excl, totals, preferred_element_type=jnp.float32)
    pref = jnp.concatenate(
        [pieces[g] + lax.slice(cumg, (g, 0), (g + 1, NE)) for g in range(G)],
        axis=0)
    cnt = lax.slice(pref, (S - 1, 0), (S, NE))
    nblk = (cnt.astype(jnp.int32) + (BLK - 1)) // BLK
    ut_excl8 = (lax.broadcasted_iota(jnp.int32, (NE, NE), 0)
                < lax.broadcasted_iota(jnp.int32, (NE, NE), 1)
                ).astype(jnp.float32)
    boff = jnp.dot(nblk.astype(jnp.float32), ut_excl8,
                   preferred_element_type=jnp.float32)
    rank = jnp.sum(pref * oh, axis=1, keepdims=True) - 1.0
    boff_tok = jnp.sum(oh * boff, axis=1, keepdims=True)
    inv_ref[...] = (boff_tok * BLK + rank).astype(jnp.int32)
    nblk_ref[...] = nblk
    boff_ref[...] = boff.astype(jnp.int32)
    density = jnp.mean(oh, axis=0, keepdims=True)
    proxy = jnp.mean(probs, axis=0, keepdims=True)
    aux_ref[...] = (jnp.sum(density * proxy) * NE).reshape(1, 1)


def _router(x_flat, Wg):
    return pl.pallas_call(
        _router_body,
        out_shape=(
            jax.ShapeDtypeStruct((S, 1), jnp.int32),
            jax.ShapeDtypeStruct((S, 128), jnp.float32),
            jax.ShapeDtypeStruct((1, NE), jnp.int32),
            jax.ShapeDtypeStruct((1, NE), jnp.int32),
            jax.ShapeDtypeStruct((1, 1), jnp.float32),
        ),
    )(x_flat, Wg)



def _sc_dispatch(x_flat, w_rep, inv_ids):
    mesh = plsc.VectorSubcoreMesh(core_axis_name="c", subcore_axis_name="s")
    tpw = S // NW

    @functools.partial(
        pl.kernel,
        out_type=(
            jax.ShapeDtypeStruct((P, C), jnp.float32),
            jax.ShapeDtypeStruct((P, 128), jnp.float32),
        ),
        mesh=mesh,
        scratch_types=[
            pltpu.VMEM((tpw,), jnp.int32),
            pltpu.VMEM((tpw, C), jnp.float32),
            pltpu.VMEM((tpw, 128), jnp.float32),
            pltpu.SemaphoreType.DMA,
            pltpu.SemaphoreType.DMA,
        ],
    )
    def k(x_hbm, wrep_hbm, inv_hbm, xs_out, ws_out, idx_v, rows_v, wrow_v,
          sem, sem2):
        wid = lax.axis_index("s") * NC + lax.axis_index("c")
        base = wid * tpw
        pltpu.sync_copy(inv_hbm.at[pl.ds(base, tpw)], idx_v)
        pltpu.sync_copy(x_hbm.at[pl.ds(base, tpw)], rows_v)
        pltpu.sync_copy(wrep_hbm.at[pl.ds(base, tpw)], wrow_v)
        cp1 = pltpu.async_copy(rows_v, xs_out.at[idx_v], sem)
        cp2 = pltpu.async_copy(wrow_v, ws_out.at[idx_v], sem2)
        cp1.wait()
        cp2.wait()

    return k(x_flat, w_rep, inv_ids)



def _gemm_body(nblk_ref, boff_ref, xs_ref, ws_ref, w1_ref, w3_ref, w2_ref,
               out_ref):
    e = pl.program_id(0)
    d = pl.program_id(1)
    base_blk = boff_ref[e]
    n = nblk_ref[e]
    W1c = w1_ref[0]
    W3c = w3_ref[0]
    W2c = w2_ref[0]

    def step(i, carry):
        r0 = pl.multiple_of((base_blk + i) * BLK, BLK)
        xb = xs_ref[pl.ds(r0, BLK), :]
        wb = ws_ref[pl.ds(r0, BLK), :]
        g = jnp.dot(xb, W1c, preferred_element_type=jnp.float32)
        u = jnp.dot(xb, W3c, preferred_element_type=jnp.float32)
        h = (g * jax.nn.sigmoid(g)) * u
        part = jnp.dot(h, W2c, preferred_element_type=jnp.float32) * wb

        @pl.when(d == 0)
        def _():
            out_ref[pl.ds(r0, BLK), :] = part

        @pl.when(d != 0)
        def _():
            out_ref[pl.ds(r0, BLK), :] += part

        return carry

    lax.fori_loop(0, n, step, 0)


def _grouped_gemm(nblk, blkoff, xs, ws_col, W1, W3, W2):
    grid_spec = pltpu.PrefetchScalarGridSpec(
        num_scalar_prefetch=2,
        grid=(NE, ND),
        in_specs=[
            pl.BlockSpec((P, C), lambda e, d, nb, bo: (0, 0)),
            pl.BlockSpec((P, 1), lambda e, d, nb, bo: (0, 0)),
            pl.BlockSpec((1, C, DBLK), lambda e, d, nb, bo: (e, 0, d)),
            pl.BlockSpec((1, C, DBLK), lambda e, d, nb, bo: (e, 0, d)),
            pl.BlockSpec((1, DBLK, C), lambda e, d, nb, bo: (e, d, 0)),
        ],
        out_specs=pl.BlockSpec((P, C), lambda e, d, nb, bo: (0, 0)),
    )
    return pl.pallas_call(
        _gemm_body,
        grid_spec=grid_spec,
        out_shape=jax.ShapeDtypeStruct((P, C), jnp.float32),
        compiler_params=pltpu.CompilerParams(
            dimension_semantics=("arbitrary", "arbitrary"),
            vmem_limit_bytes=63 * 1024 * 1024),
    )(nblk, blkoff, xs, ws_col, W1, W3, W2)



def _sc_scatter(ys, scatter_ids):
    mesh = plsc.VectorSubcoreMesh(core_axis_name="c", subcore_axis_name="s")

    @functools.partial(
        pl.kernel,
        out_type=jax.ShapeDtypeStruct((S + P, C), jnp.float32),
        mesh=mesh,
        scratch_types=[
            pltpu.VMEM((BPW,), jnp.int32),
            pltpu.VMEM((BPW, C), jnp.float32),
            pltpu.SemaphoreType.DMA,
        ],
    )
    def k(ys_hbm, sidx_hbm, out_hbm, idx_v, rows_v, sem):
        wid = lax.axis_index("s") * NC + lax.axis_index("c")
        base = wid * BPW
        pltpu.sync_copy(sidx_hbm.at[pl.ds(base, BPW)], idx_v)
        pltpu.sync_copy(ys_hbm.at[pl.ds(base, BPW)], rows_v)
        pltpu.async_copy(rows_v, out_hbm.at[idx_v], sem).wait()

    return k(ys, scatter_ids)



def kernel(x, Wg, W1, W3, W2):
    b, t, c = x.shape
    x_flat = x.reshape(S, C)
    inv2, w2, nblk2, boff2, aux2 = _router(x_flat, Wg)
    inv_ids = inv2[:, 0]
    scatter_ids = (S + jnp.arange(P, dtype=jnp.int32)).at[inv_ids].set(
        jnp.arange(S, dtype=jnp.int32))
    xs, ws_rep = _sc_dispatch(x_flat, w2, inv_ids)
    ys = _grouped_gemm(nblk2[0], boff2[0], xs, ws_rep[:, :1], W1, W3, W2)
    y_big = _sc_scatter(ys, scatter_ids)
    y = y_big[:S].reshape(b, t, c)
    return (y, aux2[0, 0])

# --- scband reference (transcript-rebuilt; emitter-appended) ---
"""Pipeline reference for scband-mo-e-38336878084277 (READ-ONLY COPY).

The authoritative reference and input builder live on the scoring server;
editing this copy changes nothing except your own understanding.
"""

import jax, jax.numpy as jnp
import numpy as np

B, T, C = 1, 2048, 768
NE, K, MULT = 8, 1, 4
DFF = C * MULT

def setup_inputs(seed: int = 0) -> dict:
    key = jax.random.key(seed)
    ks = jax.random.split(key, 5)
    x = jax.random.normal(ks[0], (B, T, C), dtype=jnp.float32)
    Wg = jax.random.normal(ks[1], (C, NE), dtype=jnp.float32) * 0.02
    W1 = jax.random.normal(ks[2], (NE, C, DFF), dtype=jnp.float32) * 0.02
    W3 = jax.random.normal(ks[3], (NE, C, DFF), dtype=jnp.float32) * 0.02
    W2 = jax.random.normal(ks[4], (NE, DFF, C), dtype=jnp.float32) * 0.02
    return {"x": x, "Wg": Wg, "W1": W1, "W3": W3, "W2": W2}

def reference(x, Wg, W1, W3, W2):
    b, t, c = x.shape
    S = b * t
    x_flat = x.reshape(S, c)
    # TopKGate: linear -> softmax -> top-k (switch-transformer style)
    logits = x_flat @ Wg
    probs = jax.nn.softmax(logits, axis=-1)
    w, idx = jax.lax.top_k(probs, K)  # (S, K), (S, K)
    # switch-transformer load-balancing aux loss
    one_hot = jax.nn.one_hot(idx[:, 0], NE, dtype=probs.dtype)
    density = one_hot.mean(axis=0)
    density_proxy = probs.mean(axis=0)
    aux = jnp.sum(density * density_proxy) * NE
    # per-expert SwiGLU MLP, token-wise top-k dispatch
    y = jnp.zeros_like(x_flat)
    for e in range(NE):
        for slot in range(K):
            sel = (idx[:, slot] == e).astype(x_flat.dtype)  # (S,)
            h = jax.nn.silu(x_flat @ W1[e]) * (x_flat @ W3[e])
            y_e = h @ W2[e]
            y = y + (sel * w[:, slot])[:, None] * y_e
    y = y.reshape(b, t, c)
    return (y, aux)

if __name__ == "__main__":
    import jax
    _d = setup_inputs()
    print(jax.jit(kernel)(*tuple(_d.values())))

</pallas_src>

<mosaic_0001>
#map = affine_map<(d0, d1) -> (0, 0)>
#map1 = affine_map<(d0, d1) -> (0)>
module attributes {stable_mosaic.version = 14 : i64} {
  func.func @k(%arg0: i32, %arg1: i32, %arg2: memref<3072x768xf32, #tpu.memory_space<hbm>>, %arg3: memref<3072xi32, #tpu.memory_space<hbm>>, %arg4: memref<5120x768xf32, #tpu.memory_space<hbm>>, %arg5: memref<96xi32, #tpu.memory_space<vmem>>, %arg6: memref<96x768xf32, #tpu.memory_space<vmem>>, %arg7: memref<!tpu.dma_semaphore, #tpu.memory_space<semaphore_mem>>) attributes {dimension_semantics = [#tpu.dimension_semantics<core_parallel>, #tpu.dimension_semantics<subcore_parallel>], iteration_bounds = array<i64: 2, 16>, scalar_prefetch = 0 : i64, scratch_operands = 3 : i64, tpu.core_type = #tpu.core_type<sc_vector_subcore>, window_params = [{transform_indices = #map}, {transform_indices = #map1}, {transform_indices = #map}]} {
    %mul3A = arith.constant 2 : i32
    %mul3A_0 = arith.muli %arg1, %mul3A : i32
    %add3A = arith.addi %mul3A_0, %arg0 : i32
    %mul3A_1 = arith.constant 96 : i32
    %mul3A_2 = arith.muli %add3A, %mul3A_1 : i32
    "tpu.region"() ({
      %run_scoped3A = tpu.sem_alloc : memref<!tpu.dma_semaphore, #tpu.memory_space<semaphore_mem>>
      %dma_start3A_7 = tpu.memref_slice %arg3[%mul3A_2] : memref<3072xi32, #tpu.memory_space<hbm>> -> memref<96xi32, #tpu.memory_space<hbm>>
      %dma_start3A_8 = tpu.memref_slice %arg3[%mul3A_2] : memref<3072xi32, #tpu.memory_space<hbm>> -> memref<96xi32, #tpu.memory_space<hbm>>
      tpu.enqueue_dma source(%dma_start3A_8 : memref<96xi32, #tpu.memory_space<hbm>>) target(%arg5 : memref<96xi32, #tpu.memory_space<vmem>>) target_semaphore(%run_scoped3A : memref<!tpu.dma_semaphore, #tpu.memory_space<semaphore_mem>>)
      %dma_wait3A_9 = tpu.memref_slice %arg3[%mul3A_2] : memref<3072xi32, #tpu.memory_space<hbm>> -> memref<96xi32, #tpu.memory_space<hbm>>
      %dma_wait3A_10 = tpu.memref_slice %arg3[%mul3A_2] : memref<3072xi32, #tpu.memory_space<hbm>> -> memref<96xi32, #tpu.memory_space<hbm>>
      tpu.wait_dma2 semaphore(%run_scoped3A : memref<!tpu.dma_semaphore, #tpu.memory_space<semaphore_mem>>) src(%dma_wait3A_10 : memref<96xi32, #tpu.memory_space<hbm>>) dst(%arg5 : memref<96xi32, #tpu.memory_space<vmem>>)
      tpu.yield
    }) : () -> ()
    "tpu.region"() ({
      %run_scoped3A = tpu.sem_alloc : memref<!tpu.dma_semaphore, #tpu.memory_space<semaphore_mem>>
      %dma_start3A_7 = arith.constant 0 : i32
      %dma_start3A_8 = tpu.memref_slice %arg2[%mul3A_2, %dma_start3A_7] : memref<3072x768xf32, #tpu.memory_space<hbm>> -> memref<96x768xf32, #tpu.memory_space<hbm>>
      %dma_start3A_9 = arith.constant 0 : i32
      %dma_start3A_10 = tpu.memref_slice %arg2[%mul3A_2, %dma_start3A_9] : memref<3072x768xf32, #tpu.memory_space<hbm>> -> memref<96x768xf32, #tpu.memory_space<hbm>>
      tpu.enqueue_dma source(%dma_start3A_10 : memref<96x768xf32, #tpu.memory_space<hbm>>) target(%arg6 : memref<96x768xf32, #tpu.memory_space<vmem>>) target_semaphore(%run_scoped3A : memref<!tpu.dma_semaphore, #tpu.memory_space<semaphore_mem>>)
      %dma_wait3A_11 = arith.constant 0 : i32
      %dma_wait3A_12 = tpu.memref_slice %arg2[%mul3A_2, %dma_wait3A_11] : memref<3072x768xf32, #tpu.memory_space<hbm>> -> memref<96x768xf32, #tpu.memory_space<hbm>>
      %dma_wait3A_13 = arith.constant 0 : i32
      %dma_wait3A_14 = tpu.memref_slice %arg2[%mul3A_2, %dma_wait3A_13] : memref<3072x768xf32, #tpu.memory_space<hbm>> -> memref<96x768xf32, #tpu.memory_space<hbm>>
      tpu.wait_dma2 semaphore(%run_scoped3A : memref<!tpu.dma_semaphore, #tpu.memory_space<semaphore_mem>>) src(%dma_wait3A_14 : memref<96x768xf32, #tpu.memory_space<hbm>>) dst(%arg6 : memref<96x768xf32, #tpu.memory_space<vmem>>)
      tpu.yield
    }) : () -> ()
    %dma_start3A = arith.constant 0 : i32
    %dma_start3A_3 = arith.constant 0 : i32
    %dma_start3A_4 = tpu.memref_slice %arg4[%dma_start3A, %dma_start3A_3] : memref<5120x768xf32, #tpu.memory_space<hbm>> -> memref<5120x768xf32, #tpu.memory_space<hbm>>
    tpu.enqueue_indirect_dma source(%arg6 : memref<96x768xf32, #tpu.memory_space<vmem>>) target(%dma_start3A_4 : memref<5120x768xf32, #tpu.memory_space<hbm>>) offsets(%arg5 : memref<96xi32, #tpu.memory_space<vmem>>) semaphore(%arg7 : memref<!tpu.dma_semaphore, #tpu.memory_space<semaphore_mem>>)
    %dma_wait3A = arith.constant 0 : i32
    %dma_wait3A_5 = arith.constant 0 : i32
    %dma_wait3A_6 = tpu.memref_slice %arg4[%dma_wait3A, %dma_wait3A_5] : memref<5120x768xf32, #tpu.memory_space<hbm>> -> memref<5120x768xf32, #tpu.memory_space<hbm>>
    tpu.wait_indirect_dma semaphore(%arg7 : memref<!tpu.dma_semaphore, #tpu.memory_space<semaphore_mem>>) src(%arg6 : memref<96x768xf32, #tpu.memory_space<vmem>>) dst(%dma_wait3A_6 : memref<5120x768xf32, #tpu.memory_space<hbm>>)
    return
  }
}

#map = affine_map<(d0, d1) -> (0, 0)>
#map1 = affine_map<(d0, d1) -> (0)>
module attributes {stable_mosaic.version = 14 : i64} {
  func.func @k(%arg0: i32, %arg1: i32, %arg2: memref<2048x768xf32, #tpu.memory_space<hbm>>, %arg3: memref<2048x128xf32, #tpu.memory_space<hbm>>, %arg4: memref<2048xi32, #tpu.memory_space<hbm>>, %arg5: memref<3072x768xf32, #tpu.memory_space<hbm>>, %arg6: memref<3072x128xf32, #tpu.memory_space<hbm>>, %arg7: memref<64xi32, #tpu.memory_space<vmem>>, %arg8: memref<64x768xf32, #tpu.memory_space<vmem>>, %arg9: memref<64x128xf32, #tpu.memory_space<vmem>>, %arg10: memref<!tpu.dma_semaphore, #tpu.memory_space<semaphore_mem>>, %arg11: memref<!tpu.dma_semaphore, #tpu.memory_space<semaphore_mem>>) attributes {dimension_semantics = [#tpu.dimension_semantics<core_parallel>, #tpu.dimension_semantics<subcore_parallel>], iteration_bounds = array<i64: 2, 16>, scalar_prefetch = 0 : i64, scratch_operands = 5 : i64, tpu.core_type = #tpu.core_type<sc_vector_subcore>, window_params = [{transform_indices = #map}, {transform_indices = #map}, {transform_indices = #map1}, {transform_indices = #map}, {transform_indices = #map}]} {
    %mul3A = arith.constant 2 : i32
    %mul3A_0 = arith.muli %arg1, %mul3A : i32
    %add3A = arith.addi %mul3A_0, %arg0 : i32
    %mul3A_1 = arith.constant 64 : i32
    %mul3A_2 = arith.muli %add3A, %mul3A_1 : i32
    "tpu.region"() ({
      %run_scoped3A = tpu.sem_alloc : memref<!tpu.dma_semaphore, #tpu.memory_space<semaphore_mem>>
      %dma_start3A_13 = tpu.memref_slice %arg4[%mul3A_2] : memref<2048xi32, #tpu.memory_space<hbm>> -> memref<64xi32, #tpu.memory_space<hbm>>
      %dma_start3A_14 = tpu.memref_slice %arg4[%mul3A_2] : memref<2048xi32, #tpu.memory_space<hbm>> -> memref<64xi32, #tpu.memory_space<hbm>>
      tpu.enqueue_dma source(%dma_start3A_14 : memref<64xi32, #tpu.memory_space<hbm>>) target(%arg7 : memref<64xi32, #tpu.memory_space<vmem>>) target_semaphore(%run_scoped3A : memref<!tpu.dma_semaphore, #tpu.memory_space<semaphore_mem>>)
      %dma_wait3A_15 = tpu.memref_slice %arg4[%mul3A_2] : memref<2048xi32, #tpu.memory_space<hbm>> -> memref<64xi32, #tpu.memory_space<hbm>>
      %dma_wait3A_16 = tpu.memref_slice %arg4[%mul3A_2] : memref<2048xi32, #tpu.memory_space<hbm>> -> memref<64xi32, #tpu.memory_space<hbm>>
      tpu.wait_dma2 semaphore(%run_scoped3A : memref<!tpu.dma_semaphore, #tpu.memory_space<semaphore_mem>>) src(%dma_wait3A_16 : memref<64xi32, #tpu.memory_space<hbm>>) dst(%arg7 : memref<64xi32, #tpu.memory_space<vmem>>)
      tpu.yield
    }) : () -> ()
    "tpu.region"() ({
      %run_scoped3A = tpu.sem_alloc : memref<!tpu.dma_semaphore, #tpu.memory_space<semaphore_mem>>
      %dma_start3A_13 = arith.constant 0 : i32
      %dma_start3A_14 = tpu.memref_slice %arg2[%mul3A_2, %dma_start3A_13] : memref<2048x768xf32, #tpu.memory_space<hbm>> -> memref<64x768xf32, #tpu.memory_space<hbm>>
      %dma_start3A_15 = arith.constant 0 : i32
      %dma_start3A_16 = tpu.memref_slice %arg2[%mul3A_2, %dma_start3A_15] : memref<2048x768xf32, #tpu.memory_space<hbm>> -> memref<64x768xf32, #tpu.memory_space<hbm>>
      tpu.enqueue_dma source(%dma_start3A_16 : memref<64x768xf32, #tpu.memory_space<hbm>>) target(%arg8 : memref<64x768xf32, #tpu.memory_space<vmem>>) target_semaphore(%run_scoped3A : memref<!tpu.dma_semaphore, #tpu.memory_space<semaphore_mem>>)
      %dma_wait3A_17 = arith.constant 0 : i32
      %dma_wait3A_18 = tpu.memref_slice %arg2[%mul3A_2, %dma_wait3A_17] : memref<2048x768xf32, #tpu.memory_space<hbm>> -> memref<64x768xf32, #tpu.memory_space<hbm>>
      %dma_wait3A_19 = arith.constant 0 : i32
      %dma_wait3A_20 = tpu.memref_slice %arg2[%mul3A_2, %dma_wait3A_19] : memref<2048x768xf32, #tpu.memory_space<hbm>> -> memref<64x768xf32, #tpu.memory_space<hbm>>
      tpu.wait_dma2 semaphore(%run_scoped3A : memref<!tpu.dma_semaphore, #tpu.memory_space<semaphore_mem>>) src(%dma_wait3A_20 : memref<64x768xf32, #tpu.memory_space<hbm>>) dst(%arg8 : memref<64x768xf32, #tpu.memory_space<vmem>>)
      tpu.yield
    }) : () -> ()
    "tpu.region"() ({
      %run_scoped3A = tpu.sem_alloc : memref<!tpu.dma_semaphore, #tpu.memory_space<semaphore_mem>>
      %dma_start3A_13 = arith.constant 0 : i32
      %dma_start3A_14 = tpu.memref_slice %arg3[%mul3A_2, %dma_start3A_13] : memref<2048x128xf32, #tpu.memory_space<hbm>> -> memref<64x128xf32, #tpu.memory_space<hbm>>
      %dma_start3A_15 = arith.constant 0 : i32
      %dma_start3A_16 = tpu.memref_slice %arg3[%mul3A_2, %dma_start3A_15] : memref<2048x128xf32, #tpu.memory_space<hbm>> -> memref<64x128xf32, #tpu.memory_space<hbm>>
      tpu.enqueue_dma source(%dma_start3A_16 : memref<64x128xf32, #tpu.memory_space<hbm>>) target(%arg9 : memref<64x128xf32, #tpu.memory_space<vmem>>) target_semaphore(%run_scoped3A : memref<!tpu.dma_semaphore, #tpu.memory_space<semaphore_mem>>)
      %dma_wait3A_17 = arith.constant 0 : i32
      %dma_wait3A_18 = tpu.memref_slice %arg3[%mul3A_2, %dma_wait3A_17] : memref<2048x128xf32, #tpu.memory_space<hbm>> -> memref<64x128xf32, #tpu.memory_space<hbm>>
      %dma_wait3A_19 = arith.constant 0 : i32
      %dma_wait3A_20 = tpu.memref_slice %arg3[%mul3A_2, %dma_wait3A_19] : memref<2048x128xf32, #tpu.memory_space<hbm>> -> memref<64x128xf32, #tpu.memory_space<hbm>>
      tpu.wait_dma2 semaphore(%run_scoped3A : memref<!tpu.dma_semaphore, #tpu.memory_space<semaphore_mem>>) src(%dma_wait3A_20 : memref<64x128xf32, #tpu.memory_space<hbm>>) dst(%arg9 : memref<64x128xf32, #tpu.memory_space<vmem>>)
      tpu.yield
    }) : () -> ()
    %dma_start3A = arith.constant 0 : i32
    %dma_start3A_3 = arith.constant 0 : i32
    %dma_start3A_4 = tpu.memref_slice %arg5[%dma_start3A, %dma_start3A_3] : memref<3072x768xf32, #tpu.memory_space<hbm>> -> memref<3072x768xf32, #tpu.memory_space<hbm>>
    tpu.enqueue_indirect_dma source(%arg8 : memref<64x768xf32, #tpu.memory_space<vmem>>) target(%dma_start3A_4 : memref<3072x768xf32, #tpu.memory_space<hbm>>) offsets(%arg7 : memref<64xi32, #tpu.memory_space<vmem>>) semaphore(%arg10 : memref<!tpu.dma_semaphore, #tpu.memory_space<semaphore_mem>>)
    %dma_start3A_5 = arith.constant 0 : i32
    %dma_start3A_6 = arith.constant 0 : i32
    %dma_start3A_7 = tpu.memref_slice %arg6[%dma_start3A_5, %dma_start3A_6] : memref<3072x128xf32, #tpu.memory_space<hbm>> -> memref<3072x128xf32, #tpu.memory_space<hbm>>
    tpu.enqueue_indirect_dma source(%arg9 : memref<64x128xf32, #tpu.memory_space<vmem>>) target(%dma_start3A_7 : memref<3072x128xf32, #tpu.memory_space<hbm>>) offsets(%arg7 : memref<64xi32, #tpu.memory_space<vmem>>) semaphore(%arg11 : memref<!tpu.dma_semaphore, #tpu.memory_space<semaphore_mem>>)
    %dma_wait3A = arith.constant 0 : i32
    %dma_wait3A_8 = arith.constant 0 : i32
    %dma_wait3A_9 = tpu.memref_slice %arg5[%dma_wait3A, %dma_wait3A_8] : memref<3072x768xf32, #tpu.memory_space<hbm>> -> memref<3072x768xf32, #tpu.memory_space<hbm>>
    tpu.wait_indirect_dma semaphore(%arg10 : memref<!tpu.dma_semaphore, #tpu.memory_space<semaphore_mem>>) src(%arg8 : memref<64x768xf32, #tpu.memory_space<vmem>>) dst(%dma_wait3A_9 : memref<3072x768xf32, #tpu.memory_space<hbm>>)
    %dma_wait3A_10 = arith.constant 0 : i32
    %dma_wait3A_11 = arith.constant 0 : i32
    %dma_wait3A_12 = tpu.memref_slice %arg6[%dma_wait3A_10, %dma_wait3A_11] : memref<3072x128xf32, #tpu.memory_space<hbm>> -> memref<3072x128xf32, #tpu.memory_space<hbm>>
    tpu.wait_indirect_dma semaphore(%arg11 : memref<!tpu.dma_semaphore, #tpu.memory_space<semaphore_mem>>) src(%arg9 : memref<64x128xf32, #tpu.memory_space<vmem>>) dst(%dma_wait3A_12 : memref<3072x128xf32, #tpu.memory_space<hbm>>)
    return
  }
}

module attributes {stable_mosaic.version = 14 : i64} {
  func.func @_router_body(%arg0: memref<2048x768xf32, #tpu.memory_space<vmem>>, %arg1: memref<768x8xf32, #tpu.memory_space<vmem>>, %arg2: memref<2048x1xi32, #tpu.memory_space<vmem>>, %arg3: memref<2048x128xf32, #tpu.memory_space<vmem>>, %arg4: memref<1x8xi32, #tpu.memory_space<vmem>>, %arg5: memref<1x8xi32, #tpu.memory_space<vmem>>, %arg6: memref<1x1xf32, #tpu.memory_space<vmem>>) attributes {dimension_semantics = [], scalar_prefetch = 0 : i64, scratch_operands = 0 : i64, tpu.core_type = #tpu.core_type<tc>} {
    %get3A = arith.constant 0 : index
    %get3A_0 = arith.constant 0 : index
    %get3A_1 = vector.load %arg0[%get3A, %get3A_0] : memref<2048x768xf32, #tpu.memory_space<vmem>>, vector<2048x768xf32>
    %get3A_2 = arith.constant 0 : index
    %get3A_3 = arith.constant 0 : index
    %get3A_4 = vector.load %arg1[%get3A_2, %get3A_3] : memref<768x8xf32, #tpu.memory_space<vmem>>, vector<768x8xf32>
    %dot_general3A = arith.constant dense<0.000000e+00> : vector<2048x8xf32>
    %dot_general3A_5 = tpu.matmul %get3A_1, %get3A_4, %dot_general3A {dimension_numbers = #tpu.dot_dimension_numbers<[1], [0], [0], [1], [0, 0, 1, 1], [], []>, transpose_lhs_hint = false} : vector<2048x768xf32>, vector<768x8xf32>, vector<2048x8xf32> -> vector<2048x8xf32>
    %reduce_max3A = arith.constant dense<0xFF800000> : vector<2048xf32>
    %reduce_max3A_6 = vector.multi_reduction <maximumf>, %dot_general3A_5, %reduce_max3A [1] : vector<2048x8xf32> to vector<2048xf32>
    %broadcast_in_dim3A = vector.shape_cast %reduce_max3A_6 : vector<2048xf32> to vector<2048x1xf32>
    %sub3A = vector.broadcast %broadcast_in_dim3A : vector<2048x1xf32> to vector<2048x8xf32>
    %sub3A_7 = arith.subf %dot_general3A_5, %sub3A : vector<2048x8xf32>
    %exp3A = math.exp %sub3A_7 : vector<2048x8xf32>
    %reduce_sum3A = arith.constant dense<0.000000e+00> : vector<2048xf32>
    %reduce_sum3A_8 = vector.multi_reduction <add>, %exp3A, %reduce_sum3A [1] : vector<2048x8xf32> to vector<2048xf32>
    %broadcast_in_dim3A_9 = vector.shape_cast %reduce_sum3A_8 : vector<2048xf32> to vector<2048x1xf32>
    %div3A = vector.broadcast %broadcast_in_dim3A_9 : vector<2048x1xf32> to vector<2048x8xf32>
    %div3A_10 = arith.divf %exp3A, %div3A : vector<2048x8xf32>
    %reduce_max3A_11 = arith.constant dense<0xFF800000> : vector<2048xf32>
    %reduce_max3A_12 = vector.multi_reduction <maximumf>, %div3A_10, %reduce_max3A_11 [1] : vector<2048x8xf32> to vector<2048xf32>
    %broadcast_in_dim3A_13 = vector.shape_cast %reduce_max3A_12 : vector<2048xf32> to vector<2048x1xf32>
    %argmax3A = tpu.reduce_index %div3A_10 {axis = 1 : i32, kind = #tpu.reduction_kind<arg_max>} : vector<2048x8xf32> -> vector<2048xi32>
    %reshape3A = vector.shape_cast %argmax3A : vector<2048xi32> to vector<2048x1xi32>
    %broadcast_in_dim3A_14 = vector.shape_cast %broadcast_in_dim3A_13 : vector<2048x1xf32> to vector<2048x1xf32>
    %broadcast_in_dim3A_15 = vector.broadcast %broadcast_in_dim3A_14 : vector<2048x1xf32> to vector<2048x128xf32>
    %swap3A = arith.constant 0 : index
    %swap3A_16 = arith.constant 0 : index
    %swap3A_17 = vector.load %arg3[%swap3A, %swap3A_16] : memref<2048x128xf32, #tpu.memory_space<vmem>>, vector<2048x128xf32>
    tpu.vector_store %arg3[%swap3A, %swap3A_16], %broadcast_in_dim3A_15 {strides = array<i32>} : memref<2048x128xf32, #tpu.memory_space<vmem>>, vector<2048x128xf32>,
    %iota3A = tpu.iota {dimensions = array<i32: 1>} : vector<1x8xi32>
    %eq3A = vector.broadcast %reshape3A : vector<2048x1xi32> to vector<2048x8xi32>
    %eq3A_18 = vector.broadcast %iota3A : vector<1x8xi32> to vector<2048x8xi32>
    %eq3A_19 = arith.cmpi eq, %eq3A, %eq3A_18 : vector<2048x8xi32>
    %convert_element_type3A = arith.extui %eq3A_19 : vector<2048x8xi1> to vector<2048x8xi32>
    %convert_element_type3A_20 = arith.sitofp %convert_element_type3A : vector<2048x8xi32> to vector<2048x8xf32>
    %iota3A_21 = tpu.iota {dimensions = array<i32: 0>} : vector<128x128xi32>
    %iota3A_22 = tpu.iota {dimensions = array<i32: 1>} : vector<128x128xi32>
    %ge3A = arith.cmpi sge, %iota3A_21, %iota3A_22 : vector<128x128xi32>
    %convert_element_type3A_23 = arith.extui %ge3A : vector<128x128xi1> to vector<128x128xi32>
    %convert_element_type3A_24 = arith.sitofp %convert_element_type3A_23 : vector<128x128xi32> to vector<128x128xf32>
    %slice3A = vector.extract_strided_slice %convert_element_type3A_20 {offsets = [0, 0], sizes = [128, 8], strides = [1, 1]} : vector<2048x8xf32> to vector<128x8xf32>
    %dot_general3A_25 = arith.constant dense<0.000000e+00> : vector<128x8xf32>
    %dot_general3A_26 = tpu.matmul %convert_element_type3A_24, %slice3A, %dot_general3A_25 {dimension_numbers = #tpu.dot_dimension_numbers<[1], [0], [0], [1], [0, 0, 1, 1], [], []>, transpose_lhs_hint = false} : vector<128x128xf32>, vector<128x8xf32>, vector<128x8xf32> -> vector<128x8xf32>
    %slice3A_27 = vector.extract_strided_slice %dot_general3A_26 {offsets = [127, 0], sizes = [1, 8], strides = [1, 1]} : vector<128x8xf32> to vector<1x8xf32>
    %slice3A_28 = vector.extract_strided_slice %convert_element_type3A_20 {offsets = [128, 0], sizes = [128, 8], strides = [1, 1]} : vector<2048x8xf32> to vector<128x8xf32>
    %dot_general3A_29 = arith.constant dense<0.000000e+00> : vector<128x8xf32>
    %dot_general3A_30 = tpu.matmul %convert_element_type3A_24, %slice3A_28, %dot_general3A_29 {dimension_numbers = #tpu.dot_dimension_numbers<[1], [0], [0], [1], [0, 0, 1, 1], [], []>, transpose_lhs_hint = false} : vector<128x128xf32>, vector<128x8xf32>, vector<128x8xf32> -> vector<128x8xf32>
    %slice3A_31 = vector.extract_strided_slice %dot_general3A_30 {offsets = [127, 0], sizes = [1, 8], strides = [1, 1]} : vector<128x8xf32> to vector<1x8xf32>
    %slice3A_32 = vector.extract_strided_slice %convert_element_type3A_20 {offsets = [256, 0], sizes = [128, 8], strides = [1, 1]} : vector<2048x8xf32> to vector<128x8xf32>
    %dot_general3A_33 = arith.constant dense<0.000000e+00> : vector<128x8xf32>
    %dot_general3A_34 = tpu.matmul %convert_element_type3A_24, %slice3A_32, %dot_general3A_33 {dimension_numbers = #tpu.dot_dimension_numbers<[1], [0], [0], [1], [0, 0, 1, 1], [], []>, transpose_lhs_hint = false} : vector<128x128xf32>, vector<128x8xf32>, vector<128x8xf32> -> vector<128x8xf32>
    %slice3A_35 = vector.extract_strided_slice %dot_general3A_34 {offsets = [127, 0], sizes = [1, 8], strides = [1, 1]} : vector<128x8xf32> to vector<1x8xf32>
    %slice3A_36 = vector.extract_strided_slice %convert_element_type3A_20 {offsets = [384, 0], sizes = [128, 8], strides = [1, 1]} : vector<2048x8xf32> to vector<128x8xf32>
    %dot_general3A_37 = arith.constant dense<0.000000e+00> : vector<128x8xf32>
    %dot_general3A_38 = tpu.matmul %convert_element_type3A_24, %slice3A_36, %dot_general3A_37 {dimension_numbers = #tpu.dot_dimension_numbers<[1], [0], [0], [1], [0, 0, 1, 1], [], []>, transpose_lhs_hint = false} : vector<128x128xf32>, vector<128x8xf32>, vector<128x8xf32> -> vector<128x8xf32>
    %slice3A_39 = vector.extract_strided_slice %dot_general3A_38 {offsets = [127, 0], sizes = [1, 8], strides = [1, 1]} : vector<128x8xf32> to vector<1x8xf32>
    %slice3A_40 = vector.extract_strided_slice %convert_element_type3A_20 {offsets = [512, 0], sizes = [128, 8], strides = [1, 1]} : vector<2048x8xf32> to vector<128x8xf32>
    %dot_general3A_41 = arith.constant dense<0.000000e+00> : vector<128x8xf32>
    %dot_general3A_42 = tpu.matmul %convert_element_type3A_24, %slice3A_40, %dot_general3A_41 {dimension_numbers = #tpu.dot_dimension_numbers<[1], [0], [0], [1], [0, 0, 1, 1], [], []>, transpose_lhs_hint = false} : vector<128x128xf32>, vector<128x8xf32>, vector<128x8xf32> -> vector<128x8xf32>
    %slice3A_43 = vector.extract_strided_slice %dot_general3A_42 {offsets = [127, 0], sizes = [1, 8], strides = [1, 1]} : vector<128x8xf32> to vector<1x8xf32>
    %slice3A_44 = vector.extract_strided_slice %convert_element_type3A_20 {offsets = [640, 0], sizes = [128, 8], strides = [1, 1]} : vector<2048x8xf32> to vector<128x8xf32>
    %dot_general3A_45 = arith.constant dense<0.000000e+00> : vector<128x8xf32>
    %dot_general3A_46 = tpu.matmul %convert_element_type3A_24, %slice3A_44, %dot_general3A_45 {dimension_numbers = #tpu.dot_dimension_numbers<[1], [0], [0], [1], [0, 0, 1, 1], [], []>, transpose_lhs_hint = false} : vector<128x128xf32>, vector<128x8xf32>, vector<128x8xf32> -> vector<128x8xf32>
    %slice3A_47 = vector.extract_strided_slice %dot_general3A_46 {offsets = [127, 0], sizes = [1, 8], strides = [1, 1]} : vector<128x8xf32> to vector<1x8xf32>
    %slice3A_48 = vector.extract_strided_slice %convert_element_type3A_20 {offsets = [768, 0], sizes = [128, 8], strides = [1, 1]} : vector<2048x8xf32> to vector<128x8xf32>
    %dot_general3A_49 = arith.constant dense<0.000000e+00> : vector<128x8xf32>
    %dot_general3A_50 = tpu.matmul %convert_element_type3A_24, %slice3A_48, %dot_general3A_49 {dimension_numbers = #tpu.dot_dimension_numbers<[1], [0], [0], [1], [0, 0, 1, 1], [], []>, transpose_lhs_hint = false} : vector<128x128xf32>, vector<128x8xf32>, vector<128x8xf32> -> vector<128x8xf32>
    %slice3A_51 = vector.extract_strided_slice %dot_general3A_50 {offsets = [127, 0], sizes = [1, 8], strides = [1, 1]} : vector<128x8xf32> to vector<1x8xf32>
    %slice3A_52 = vector.extract_strided_slice %convert_element_type3A_20 {offsets = [896, 0], sizes = [128, 8], strides = [1, 1]} : vector<2048x8xf32> to vector<128x8xf32>
    %dot_general3A_53 = arith.constant dense<0.000000e+00> : vector<128x8xf32>
    %dot_general3A_54 = tpu.matmul %convert_element_type3A_24, %slice3A_52, %dot_general3A_53 {dimension_numbers = #tpu.dot_dimension_numbers<[1], [0], [0], [1], [0, 0, 1, 1], [], []>, transpose_lhs_hint = false} : vector<128x128xf32>, vector<128x8xf32>, vector<128x8xf32> -> vector<128x8xf32>
    %slice3A_55 = vector.extract_strided_slice %dot_general3A_54 {offsets = [127, 0], sizes = [1, 8], strides = [1, 1]} : vector<128x8xf32> to vector<1x8xf32>
    %slice3A_56 = vector.extract_strided_slice %convert_element_type3A_20 {offsets = [1024, 0], sizes = [128, 8], strides = [1, 1]} : vector<2048x8xf32> to vector<128x8xf32>
    %dot_general3A_57 = arith.constant dense<0.000000e+00> : vector<128x8xf32>
    %dot_general3A_58 = tpu.matmul %convert_element_type3A_24, %slice3A_56, %dot_general3A_57 {dimension_numbers = #tpu.dot_dimension_numbers<[1], [0], [0], [1], [0, 0, 1, 1], [], []>, transpose_lhs_hint = false} : vector<128x128xf32>, vector<128x8xf32>, vector<128x8xf32> -> vector<128x8xf32>
    %slice3A_59 = vector.extract_strided_slice %dot_general3A_58 {offsets = [127, 0], sizes = [1, 8], strides = [1, 1]} : vector<128x8xf32> to vector<1x8xf32>
    %slice3A_60 = vector.extract_strided_slice %convert_element_type3A_20 {offsets = [1152, 0], sizes = [128, 8], strides = [1, 1]} : vector<2048x8xf32> to vector<128x8xf32>
    %dot_general3A_61 = arith.constant dense<0.000000e+00> : vector<128x8xf32>
    %dot_general3A_62 = tpu.matmul %convert_element_type3A_24, %slice3A_60, %dot_general3A_61 {dimension_numbers = #tpu.dot_dimension_numbers<[1], [0], [0], [1], [0, 0, 1, 1], [], []>, transpose_lhs_hint = false} : vector<128x128xf32>, vector<128x8xf32>, vector<128x8xf32> -> vector<128x8xf32>
    %slice3A_63 = vector.extract_strided_slice %dot_general3A_62 {offsets = [127, 0], sizes = [1, 8], strides = [1, 1]} : vector<128x8xf32> to vector<1x8xf32>
    %slice3A_64 = vector.extract_strided_slice %convert_element_type3A_20 {offsets = [1280, 0], sizes = [128, 8], strides = [1, 1]} : vector<2048x8xf32> to vector<128x8xf32>
    %dot_general3A_65 = arith.constant dense<0.000000e+00> : vector<128x8xf32>
    %dot_general3A_66 = tpu.matmul %convert_element_type3A_24, %slice3A_64, %dot_general3A_65 {dimension_numbers = #tpu.dot_dimension_numbers<[1], [0], [0], [1], [0, 0, 1, 1], [], []>, transpose_lhs_hint = false} : vector<128x128xf32>, vector<128x8xf32>, vector<128x8xf32> -> vector<128x8xf32>
    %slice3A_67 = vector.extract_strided_slice %dot_general3A_66 {offsets = [127, 0], sizes = [1, 8], strides = [1, 1]} : vector<128x8xf32> to vector<1x8xf32>
    %slice3A_68 = vector.extract_strided_slice %convert_element_type3A_20 {offsets = [1408, 0], sizes = [128, 8], strides = [1, 1]} : vector<2048x8xf32> to vector<128x8xf32>
    %dot_general3A_69 = arith.constant dense<0.000000e+00> : vector<128x8xf32>
    %dot_general3A_70 = tpu.matmul %convert_element_type3A_24, %slice3A_68, %dot_general3A_69 {dimension_numbers = #tpu.dot_dimension_numbers<[1], [0], [0], [1], [0, 0, 1, 1], [], []>, transpose_lhs_hint = false} : vector<128x128xf32>, vector<128x8xf32>, vector<128x8xf32> -> vector<128x8xf32>
    %slice3A_71 = vector.extract_strided_slice %dot_general3A_70 {offsets = [127, 0], sizes = [1, 8], strides = [1, 1]} : vector<128x8xf32> to vector<1x8xf32>
    %slice3A_72 = vector.extract_strided_slice %convert_element_type3A_20 {offsets = [1536, 0], sizes = [128, 8], strides = [1, 1]} : vector<2048x8xf32> to vector<128x8xf32>
    %dot_general3A_73 = arith.constant dense<0.000000e+00> : vector<128x8xf32>
    %dot_general3A_74 = tpu.matmul %convert_element_type3A_24, %slice3A_72, %dot_general3A_73 {dimension_numbers = #tpu.dot_dimension_numbers<[1], [0], [0], [1], [0, 0, 1, 1], [], []>, transpose_lhs_hint = false} : vector<128x128xf32>, vector<128x8xf32>, vector<128x8xf32> -> vector<128x8xf32>
    %slice3A_75 = vector.extract_strided_slice %dot_general3A_74 {offsets = [127, 0], sizes = [1, 8], strides = [1, 1]} : vector<128x8xf32> to vector<1x8xf32>
    %slice3A_76 = vector.extract_strided_slice %convert_element_type3A_20 {offsets = [1664, 0], sizes = [128, 8], strides = [1, 1]} : vector<2048x8xf32> to vector<128x8xf32>
    %dot_general3A_77 = arith.constant dense<0.000000e+00> : vector<128x8xf32>
    %dot_general3A_78 = tpu.matmul %convert_element_type3A_24, %slice3A_76, %dot_general3A_77 {dimension_numbers = #tpu.dot_dimension_numbers<[1], [0], [0], [1], [0, 0, 1, 1], [], []>, transpose_lhs_hint = false} : vector<128x128xf32>, vector<128x8xf32>, vector<128x8xf32> -> vector<128x8xf32>
    %slice3A_79 = vector.extract_strided_slice %dot_general3A_78 {offsets = [127, 0], sizes = [1, 8], strides = [1, 1]} : vector<128x8xf32> to vector<1x8xf32>
    %slice3A_80 = vector.extract_strided_slice %convert_element_type3A_20 {offsets = [1792, 0], sizes = [128, 8], strides = [1, 1]} : vector<2048x8xf32> to vector<128x8xf32>
    %dot_general3A_81 = arith.constant dense<0.000000e+00> : vector<128x8xf32>
    %dot_general3A_82 = tpu.matmul %convert_element_type3A_24, %slice3A_80, %dot_general3A_81 {dimension_numbers = #tpu.dot_dimension_numbers<[1], [0], [0], [1], [0, 0, 1, 1], [], []>, transpose_lhs_hint = false} : vector<128x128xf32>, vector<128x8xf32>, vector<128x8xf32> -> vector<128x8xf32>
    %slice3A_83 = vector.extract_strided_slice %dot_general3A_82 {offsets = [127, 0], sizes = [1, 8], strides = [1, 1]} : vector<128x8xf32> to vector<1x8xf32>
    %slice3A_84 = vector.extract_strided_slice %convert_element_type3A_20 {offsets = [1920, 0], sizes = [128, 8], strides = [1, 1]} : vector<2048x8xf32> to vector<128x8xf32>
    %dot_general3A_85 = arith.constant dense<0.000000e+00> : vector<128x8xf32>
    %dot_general3A_86 = tpu.matmul %convert_element_type3A_24, %slice3A_84, %dot_general3A_85 {dimension_numbers = #tpu.dot_dimension_numbers<[1], [0], [0], [1], [0, 0, 1, 1], [], []>, transpose_lhs_hint = false} : vector<128x128xf32>, vector<128x8xf32>, vector<128x8xf32> -> vector<128x8xf32>
    %slice3A_87 = vector.extract_strided_slice %dot_general3A_86 {offsets = [127, 0], sizes = [1, 8], strides = [1, 1]} : vector<128x8xf32> to vector<1x8xf32>
    %concatenate3A = tpu.concatenate %slice3A_27, %slice3A_31, %slice3A_35, %slice3A_39, %slice3A_43, %slice3A_47, %slice3A_51, %slice3A_55, %slice3A_59, %slice3A_63, %slice3A_67, %slice3A_71, %slice3A_75, %slice3A_79, %slice3A_83, %slice3A_87 in 0 : vector<1x8xf32>, vector<1x8xf32>, vector<1x8xf32>, vector<1x8xf32>, vector<1x8xf32>, vector<1x8xf32>, vector<1x8xf32>, vector<1x8xf32>, vector<1x8xf32>, vector<1x8xf32>, vector<1x8xf32>, vector<1x8xf32>, vector<1x8xf32>, vector<1x8xf32>, vector<1x8xf32>, vector<1x8xf32> -> vector<16x8xf32>
    %iota3A_88 = tpu.iota {dimensions = array<i32: 0>} : vector<16x16xi32>
    %iota3A_89 = tpu.iota {dimensions = array<i32: 1>} : vector<16x16xi32>
    %gt3A = arith.cmpi sgt, %iota3A_88, %iota3A_89 : vector<16x16xi32>
    %convert_element_type3A_90 = arith.extui %gt3A : vector<16x16xi1> to vector<16x16xi32>
    %convert_element_type3A_91 = arith.sitofp %convert_element_type3A_90 : vector<16x16xi32> to vector<16x16xf32>
    %dot_general3A_92 = arith.constant dense<0.000000e+00> : vector<16x8xf32>
    %dot_general3A_93 = tpu.matmul %convert_element_type3A_91, %concatenate3A, %dot_general3A_92 {dimension_numbers = #tpu.dot_dimension_numbers<[1], [0], [0], [1], [0, 0, 1, 1], [], []>, transpose_lhs_hint = false} : vector<16x16xf32>, vector<16x8xf32>, vector<16x8xf32> -> vector<16x8xf32>
    %slice3A_94 = vector.extract_strided_slice %dot_general3A_93 {offsets = [0, 0], sizes = [1, 8], strides = [1, 1]} : vector<16x8xf32> to vector<1x8xf32>
    %add3A = vector.broadcast %slice3A_94 : vector<1x8xf32> to vector<128x8xf32>
    %add3A_95 = arith.addf %dot_general3A_26, %add3A : vector<128x8xf32>
    %slice3A_96 = vector.extract_strided_slice %dot_general3A_93 {offsets = [1, 0], sizes = [1, 8], strides = [1, 1]} : vector<16x8xf32> to vector<1x8xf32>
    %add3A_97 = vector.broadcast %slice3A_96 : vector<1x8xf32> to vector<128x8xf32>
    %add3A_98 = arith.addf %dot_general3A_30, %add3A_97 : vector<128x8xf32>
    %slice3A_99 = vector.extract_strided_slice %dot_general3A_93 {offsets = [2, 0], sizes = [1, 8], strides = [1, 1]} : vector<16x8xf32> to vector<1x8xf32>
    %add3A_100 = vector.broadcast %slice3A_99 : vector<1x8xf32> to vector<128x8xf32>
    %add3A_101 = arith.addf %dot_general3A_34, %add3A_100 : vector<128x8xf32>
    %slice3A_102 = vector.extract_strided_slice %dot_general3A_93 {offsets = [3, 0], sizes = [1, 8], strides = [1, 1]} : vector<16x8xf32> to vector<1x8xf32>
    %add3A_103 = vector.broadcast %slice3A_102 : vector<1x8xf32> to vector<128x8xf32>
    %add3A_104 = arith.addf %dot_general3A_38, %add3A_103 : vector<128x8xf32>
    %slice3A_105 = vector.extract_strided_slice %dot_general3A_93 {offsets = [4, 0], sizes = [1, 8], strides = [1, 1]} : vector<16x8xf32> to vector<1x8xf32>
    %add3A_106 = vector.broadcast %slice3A_105 : vector<1x8xf32> to vector<128x8xf32>
    %add3A_107 = arith.addf %dot_general3A_42, %add3A_106 : vector<128x8xf32>
    %slice3A_108 = vector.extract_strided_slice %dot_general3A_93 {offsets = [5, 0], sizes = [1, 8], strides = [1, 1]} : vector<16x8xf32> to vector<1x8xf32>
    %add3A_109 = vector.broadcast %slice3A_108 : vector<1x8xf32> to vector<128x8xf32>
    %add3A_110 = arith.addf %dot_general3A_46, %add3A_109 : vector<128x8xf32>
    %slice3A_111 = vector.extract_strided_slice %dot_general3A_93 {offsets = [6, 0], sizes = [1, 8], strides = [1, 1]} : vector<16x8xf32> to vector<1x8xf32>
    %add3A_112 = vector.broadcast %slice3A_111 : vector<1x8xf32> to vector<128x8xf32>
    %add3A_113 = arith.addf %dot_general3A_50, %add3A_112 : vector<128x8xf32>
    %slice3A_114 = vector.extract_strided_slice %dot_general3A_93 {offsets = [7, 0], sizes = [1, 8], strides = [1, 1]} : vector<16x8xf32> to vector<1x8xf32>
    %add3A_115 = vector.broadcast %slice3A_114 : vector<1x8xf32> to vector<128x8xf32>
    %add3A_116 = arith.addf %dot_general3A_54, %add3A_115 : vector<128x8xf32>
    %slice3A_117 = vector.extract_strided_slice %dot_general3A_93 {offsets = [8, 0], sizes = [1, 8], strides = [1, 1]} : vector<16x8xf32> to vector<1x8xf32>
    %add3A_118 = vector.broadcast %slice3A_117 : vector<1x8xf32> to vector<128x8xf32>
    %add3A_119 = arith.addf %dot_general3A_58, %add3A_118 : vector<128x8xf32>
    %slice3A_120 = vector.extract_strided_slice %dot_general3A_93 {offsets = [9, 0], sizes = [1, 8], strides = [1, 1]} : vector<16x8xf32> to vector<1x8xf32>
    %add3A_121 = vector.broadcast %slice3A_120 : vector<1x8xf32> to vector<128x8xf32>
    %add3A_122 = arith.addf %dot_general3A_62, %add3A_121 : vector<128x8xf32>
    %slice3A_123 = vector.extract_strided_slice %dot_general3A_93 {offsets = [10, 0], sizes = [1, 8], strides = [1, 1]} : vector<16x8xf32> to vector<1x8xf32>
    %add3A_124 = vector.broadcast %slice3A_123 : vector<1x8xf32> to vector<128x8xf32>
    %add3A_125 = arith.addf %dot_general3A_66, %add3A_124 : vector<128x8xf32>
    %slice3A_126 = vector.extract_strided_slice %dot_general3A_93 {offsets = [11, 0], sizes = [1, 8], strides = [1, 1]} : vector<16x8xf32> to vector<1x8xf32>
    %add3A_127 = vector.broadcast %slice3A_126 : vector<1x8xf32> to vector<128x8xf32>
    %add3A_128 = arith.addf %dot_general3A_70, %add3A_127 : vector<128x8xf32>
    %slice3A_129 = vector.extract_strided_slice %dot_general3A_93 {offsets = [12, 0], sizes = [1, 8], strides = [1, 1]} : vector<16x8xf32> to vector<1x8xf32>
    %add3A_130 = vector.broadcast %slice3A_129 : vector<1x8xf32> to vector<128x8xf32>
    %add3A_131 = arith.addf %dot_general3A_74, %add3A_130 : vector<128x8xf32>
    %slice3A_132 = vector.extract_strided_slice %dot_general3A_93 {offsets = [13, 0], sizes = [1, 8], strides = [1, 1]} : vector<16x8xf32> to vector<1x8xf32>
    %add3A_133 = vector.broadcast %slice3A_132 : vector<1x8xf32> to vector<128x8xf32>
    %add3A_134 = arith.addf %dot_general3A_78, %add3A_133 : vector<128x8xf32>
    %slice3A_135 = vector.extract_strided_slice %dot_general3A_93 {offsets = [14, 0], sizes = [1, 8], strides = [1, 1]} : vector<16x8xf32> to vector<1x8xf32>
    %add3A_136 = vector.broadcast %slice3A_135 : vector<1x8xf32> to vector<128x8xf32>
    %add3A_137 = arith.addf %dot_general3A_82, %add3A_136 : vector<128x8xf32>
    %slice3A_138 = vector.extract_strided_slice %dot_general3A_93 {offsets = [15, 0], sizes = [1, 8], strides = [1, 1]} : vector<16x8xf32> to vector<1x8xf32>
    %add3A_139 = vector.broadcast %slice3A_138 : vector<1x8xf32> to vector<128x8xf32>
    %add3A_140 = arith.addf %dot_general3A_86, %add3A_139 : vector<128x8xf32>
    %concatenate3A_141 = tpu.concatenate %add3A_95, %add3A_98, %add3A_101, %add3A_104, %add3A_107, %add3A_110, %add3A_113, %add3A_116, %add3A_119, %add3A_122, %add3A_125, %add3A_128, %add3A_131, %add3A_134, %add3A_137, %add3A_140 in 0 : vector<128x8xf32>, vector<128x8xf32>, vector<128x8xf32>, vector<128x8xf32>, vector<128x8xf32>, vector<128x8xf32>, vector<128x8xf32>, vector<128x8xf32>, vector<128x8xf32>, vector<128x8xf32>, vector<128x8xf32>, vector<128x8xf32>, vector<128x8xf32>, vector<128x8xf32>, vector<128x8xf32>, vector<128x8xf32> -> vector<2048x8xf32>
    %slice3A_142 = vector.extract_strided_slice %concatenate3A_141 {offsets = [2047, 0], sizes = [1, 8], strides = [1, 1]} : vector<2048x8xf32> to vector<1x8xf32>
    %convert_element_type3A_143 = arith.fptosi %slice3A_142 : vector<1x8xf32> to vector<1x8xi32>
    %add3A_144 = arith.constant 127 : i32
    %add3A_145 = vector.broadcast %add3A_144 : i32 to vector<1x8xi32>
    %add3A_146 = arith.addi %convert_element_type3A_143, %add3A_145 : vector<1x8xi32>
    %jit3A = arith.constant 128 : i32
    %div3A_147 = vector.broadcast %jit3A : i32 to vector<1x8xi32>
    %div3A_148 = arith.divsi %add3A_146, %div3A_147 : vector<1x8xi32>
    %sign3A = arith.constant 0 : i32
    %sign3A_149 = vector.broadcast %sign3A : i32 to vector<1x8xi32>
    %sign3A_150 = arith.cmpi sgt, %add3A_146, %sign3A_149 : vector<1x8xi32>
    %sign3A_151 = arith.extui %sign3A_150 : vector<1x8xi1> to vector<1x8xi32>
    %sign3A_152 = arith.constant 0 : i32
    %sign3A_153 = vector.broadcast %sign3A_152 : i32 to vector<1x8xi32>
    %sign3A_154 = arith.cmpi slt, %add3A_146, %sign3A_153 : vector<1x8xi32>
    %sign3A_155 = arith.extui %sign3A_154 : vector<1x8xi1> to vector<1x8xi32>
    %sign3A_156 = arith.subi %sign3A_151, %sign3A_155 : vector<1x8xi32>
    %sign3A_157 = arith.constant 0 : i32
    %sign3A_158 = arith.cmpi sgt, %jit3A, %sign3A_157 : i32
    %sign3A_159 = arith.extui %sign3A_158 : i1 to i32
    %sign3A_160 = arith.constant 0 : i32
    %sign3A_161 = arith.cmpi slt, %jit3A, %sign3A_160 : i32
    %sign3A_162 = arith.extui %sign3A_161 : i1 to i32
    %sign3A_163 = arith.subi %sign3A_159, %sign3A_162 : i32
    %ne3A = vector.broadcast %sign3A_163 : i32 to vector<1x8xi32>
    %ne3A_164 = arith.cmpi ne, %sign3A_156, %ne3A : vector<1x8xi32>
    %rem3A = vector.broadcast %jit3A : i32 to vector<1x8xi32>
    %rem3A_165 = arith.remsi %add3A_146, %rem3A : vector<1x8xi32>
    %ne3A_166 = arith.constant 0 : i32
    %ne3A_167 = vector.broadcast %ne3A_166 : i32 to vector<1x8xi32>
    %ne3A_168 = arith.cmpi ne, %rem3A_165, %ne3A_167 : vector<1x8xi32>
    %and3A = arith.andi %ne3A_164, %ne3A_168 : vector<1x8xi1>
    %sub3A_169 = arith.constant 1 : i32
    %sub3A_170 = vector.broadcast %sub3A_169 : i32 to vector<1x8xi32>
    %sub3A_171 = arith.subi %div3A_148, %sub3A_170 : vector<1x8xi32>
    %select_n3A = arith.select %and3A, %sub3A_171, %div3A_148 : vector<1x8xi1>, vector<1x8xi32>
    %iota3A_172 = tpu.iota {dimensions = array<i32: 0>} : vector<8x8xi32>
    %iota3A_173 = tpu.iota {dimensions = array<i32: 1>} : vector<8x8xi32>
    %lt3A = arith.cmpi slt, %iota3A_172, %iota3A_173 : vector<8x8xi32>
    %convert_element_type3A_174 = arith.extui %lt3A : vector<8x8xi1> to vector<8x8xi32>
    %convert_element_type3A_175 = arith.sitofp %convert_element_type3A_174 : vector<8x8xi32> to vector<8x8xf32>
    %convert_element_type3A_176 = arith.sitofp %select_n3A : vector<1x8xi32> to vector<1x8xf32>
    %dot_general3A_177 = arith.constant dense<0.000000e+00> : vector<1x8xf32>
    %dot_general3A_178 = tpu.matmul %convert_element_type3A_176, %convert_element_type3A_175, %dot_general3A_177 {dimension_numbers = #tpu.dot_dimension_numbers<[1], [0], [0], [1], [0, 0, 1, 1], [], []>, transpose_lhs_hint = false} : vector<1x8xf32>, vector<8x8xf32>, vector<1x8xf32> -> vector<1x8xf32>
    %mul3A = arith.mulf %concatenate3A_141, %convert_element_type3A_20 : vector<2048x8xf32>
    %reduce_sum3A_179 = arith.constant dense<0.000000e+00> : vector<2048xf32>
    %reduce_sum3A_180 = vector.multi_reduction <add>, %mul3A, %reduce_sum3A_179 [1] : vector<2048x8xf32> to vector<2048xf32>
    %broadcast_in_dim3A_181 = vector.shape_cast %reduce_sum3A_180 : vector<2048xf32> to vector<2048x1xf32>
    %sub3A_182 = arith.constant 1.000000e+00 : f32
    %sub3A_183 = vector.broadcast %sub3A_182 : f32 to vector<2048x1xf32>
    %sub3A_184 = arith.subf %broadcast_in_dim3A_181, %sub3A_183 : vector<2048x1xf32>
    %mul3A_185 = vector.broadcast %dot_general3A_178 : vector<1x8xf32> to vector<2048x8xf32>
    %mul3A_186 = arith.mulf %convert_element_type3A_20, %mul3A_185 : vector<2048x8xf32>
    %reduce_sum3A_187 = arith.constant dense<0.000000e+00> : vector<2048xf32>
    %reduce_sum3A_188 = vector.multi_reduction <add>, %mul3A_186, %reduce_sum3A_187 [1] : vector<2048x8xf32> to vector<2048xf32>
    %broadcast_in_dim3A_189 = vector.shape_cast %reduce_sum3A_188 : vector<2048xf32> to vector<2048x1xf32>
    %mul3A_190 = arith.constant 1.280000e+02 : f32
    %mul3A_191 = vector.broadcast %mul3A_190 : f32 to vector<2048x1xf32>
    %mul3A_192 = arith.mulf %broadcast_in_dim3A_189, %mul3A_191 : vector<2048x1xf32>
    %add3A_193 = arith.addf %mul3A_192, %sub3A_184 : vector<2048x1xf32>
    %convert_element_type3A_194 = arith.fptosi %add3A_193 : vector<2048x1xf32> to vector<2048x1xi32>
    %swap3A_195 = arith.constant 0 : index
    %swap3A_196 = arith.constant 0 : index
    %swap3A_197 = vector.load %arg2[%swap3A_195, %swap3A_196] : memref<2048x1xi32, #tpu.memory_space<vmem>>, vector<2048x1xi32>
    tpu.vector_store %arg2[%swap3A_195, %swap3A_196], %convert_element_type3A_194 {strides = array<i32>} : memref<2048x1xi32, #tpu.memory_space<vmem>>, vector<2048x1xi32>,
    %swap3A_198 = arith.constant 0 : index
    %swap3A_199 = arith.constant 0 : index
    %swap3A_200 = vector.load %arg4[%swap3A_198, %swap3A_199] : memref<1x8xi32, #tpu.memory_space<vmem>>, vector<1x8xi32>
    tpu.vector_store %arg4[%swap3A_198, %swap3A_199], %select_n3A {strides = array<i32>} : memref<1x8xi32, #tpu.memory_space<vmem>>, vector<1x8xi32>,
    %convert_element_type3A_201 = arith.fptosi %dot_general3A_178 : vector<1x8xf32> to vector<1x8xi32>
    %swap3A_202 = arith.constant 0 : index
    %swap3A_203 = arith.constant 0 : index
    %swap3A_204 = vector.load %arg5[%swap3A_202, %swap3A_203] : memref<1x8xi32, #tpu.memory_space<vmem>>, vector<1x8xi32>
    tpu.vector_store %arg5[%swap3A_202, %swap3A_203], %convert_element_type3A_201 {strides = array<i32>} : memref<1x8xi32, #tpu.memory_space<vmem>>, vector<1x8xi32>,
    %reduce_sum3A_205 = arith.constant dense<0.000000e+00> : vector<8xf32>
    %reduce_sum3A_206 = vector.multi_reduction <add>, %convert_element_type3A_20, %reduce_sum3A_205 [0] : vector<2048x8xf32> to vector<8xf32>
    %broadcast_in_dim3A_207 = vector.shape_cast %reduce_sum3A_206 : vector<8xf32> to vector<1x8xf32>
    %div3A_208 = arith.constant 2.048000e+03 : f32
    %div3A_209 = vector.broadcast %div3A_208 : f32 to vector<1x8xf32>
    %div3A_210 = arith.divf %broadcast_in_dim3A_207, %div3A_209 : vector<1x8xf32>
    %reduce_sum3A_211 = arith.constant dense<0.000000e+00> : vector<8xf32>
    %reduce_sum3A_212 = vector.multi_reduction <add>, %div3A_10, %reduce_sum3A_211 [0] : vector<2048x8xf32> to vector<8xf32>
    %broadcast_in_dim3A_213 = vector.shape_cast %reduce_sum3A_212 : vector<8xf32> to vector<1x8xf32>
    %div3A_214 = arith.constant 2.048000e+03 : f32
    %div3A_215 = vector.broadcast %div3A_214 : f32 to vector<1x8xf32>
    %div3A_216 = arith.divf %broadcast_in_dim3A_213, %div3A_215 : vector<1x8xf32>
    %mul3A_217 = arith.mulf %div3A_210, %div3A_216 : vector<1x8xf32>
    %reduce_sum3A_218 = vector.shape_cast %mul3A_217 : vector<1x8xf32> to vector<1x1x8xf32>
    %reduce_sum3A_219 = arith.constant dense<0.000000e+00> : vector<1xf32>
    %reduce_sum3A_220 = vector.multi_reduction <add>, %reduce_sum3A_218, %reduce_sum3A_219 [1, 2] : vector<1x1x8xf32> to vector<1xf32>
    %reduce_sum3A_221 = vector.shape_cast %reduce_sum3A_220 : vector<1xf32> to vector<1x1x1xf32>
    %reduce_sum3A_222 = vector.extract %reduce_sum3A_221[0, 0, 0] : f32 from vector<1x1x1xf32>
    %mul3A_223 = arith.constant 8.000000e+00 : f32
    %mul3A_224 = arith.mulf %reduce_sum3A_222, %mul3A_223 : f32
    %reshape3A_225 = vector.broadcast %mul3A_224 : f32 to vector<1x1xf32>
    %swap3A_226 = arith.constant 0 : index
    %swap3A_227 = arith.constant 0 : index
    %swap3A_228 = vector.load %arg6[%swap3A_226, %swap3A_227] : memref<1x1xf32, #tpu.memory_space<vmem>>, vector<1x1xf32>
    tpu.vector_store %arg6[%swap3A_226, %swap3A_227], %reshape3A_225 {strides = array<i32>} : memref<1x1xf32, #tpu.memory_space<vmem>>, vector<1x1xf32>,
    return
  }
}

module attributes {stable_mosaic.version = 14 : i64} {
  func.func @_gemm_body(%arg0: i32, %arg1: i32, %arg2: memref<8xi32, #tpu.memory_space<smem>>, %arg3: memref<8xi32, #tpu.memory_space<smem>>, %arg4: memref<3072x768xf32, #tpu.memory_space<vmem>>, %arg5: memref<3072x1xf32, #tpu.memory_space<vmem>>, %arg6: memref<1x768x1536xf32, #tpu.memory_space<vmem>>, %arg7: memref<1x768x1536xf32, #tpu.memory_space<vmem>>, %arg8: memref<1x1536x768xf32, #tpu.memory_space<vmem>>, %arg9: memref<3072x768xf32, #tpu.memory_space<vmem>>) attributes {dimension_semantics = [#tpu.dimension_semantics<arbitrary>, #tpu.dimension_semantics<arbitrary>], iteration_bounds = array<i64: 8, 2>, scalar_prefetch = 2 : i64, scratch_operands = 0 : i64, tpu.core_type = #tpu.core_type<tc>, window_params = [{pipeline_mode = #tpu.pipeline_mode<synchronous>, transform_indices = @transform_0, window_bounds = array<i64: 3072, 768>}, {pipeline_mode = #tpu.pipeline_mode<synchronous>, transform_indices = @transform_1, window_bounds = array<i64: 3072, 1>}, {transform_indices = @transform_2, window_bounds = array<i64: 1, 768, 1536>}, {transform_indices = @transform_3, window_bounds = array<i64: 1, 768, 1536>}, {transform_indices = @transform_4, window_bounds = array<i64: 1, 1536, 768>}, {pipeline_mode = #tpu.pipeline_mode<synchronous>, transform_indices = @transform_5, window_bounds = array<i64: 3072, 768>}]} {
    %get3A = arith.index_cast %arg0 : i32 to index
    %get3A_0 = memref.load %arg3[%get3A] : memref<8xi32, #tpu.memory_space<smem>>
    %get3A_1 = arith.index_cast %arg0 : i32 to index
    %get3A_2 = memref.load %arg2[%get3A_1] : memref<8xi32, #tpu.memory_space<smem>>
    %get3A_3 = arith.constant 0 : index
    %get3A_4 = arith.constant 0 : index
    %get3A_5 = arith.constant 0 : index
    %get3A_6 = vector.load %arg6[%get3A_3, %get3A_4, %get3A_5] : memref<1x768x1536xf32, #tpu.memory_space<vmem>>, vector<1x768x1536xf32>
    %get3A_7 = vector.shape_cast %get3A_6 : vector<1x768x1536xf32> to vector<768x1536xf32>
    %get3A_8 = arith.constant 0 : index
    %get3A_9 = arith.constant 0 : index
    %get3A_10 = arith.constant 0 : index
    %get3A_11 = vector.load %arg7[%get3A_8, %get3A_9, %get3A_10] : memref<1x768x1536xf32, #tpu.memory_space<vmem>>, vector<1x768x1536xf32>
    %get3A_12 = vector.shape_cast %get3A_11 : vector<1x768x1536xf32> to vector<768x1536xf32>
    %get3A_13 = arith.constant 0 : index
    %get3A_14 = arith.constant 0 : index
    %get3A_15 = arith.constant 0 : index
    %get3A_16 = vector.load %arg8[%get3A_13, %get3A_14, %get3A_15] : memref<1x1536x768xf32, #tpu.memory_space<vmem>>, vector<1x1536x768xf32>
    %get3A_17 = vector.shape_cast %get3A_16 : vector<1x1536x768xf32> to vector<1536x768xf32>
    %while3A = arith.constant 0 : i32
    %while3A_18 = arith.constant 0 : i32
    %while3A_19 = arith.subi %get3A_2, %while3A_18 : i32
    %while3A_20 = arith.addi %while3A_18, %while3A_19 : i32
    %while3A_21 = arith.constant 1 : i32
    %while3A_22 = arith.divsi %while3A_19, %while3A_21 : i32
    %while3A_23 = arith.muli %while3A_22, %while3A_21 : i32
    %while3A_24 = arith.addi %while3A_18, %while3A_23 : i32
    %while3A_25 = arith.constant 1 : i32
    scf.for %while3A_27 = %while3A_18 to %while3A_24 step %while3A_25  : i32 {
      %add3A = arith.addi %get3A_0, %while3A_27 : i32
      %mul3A = arith.constant 128 : i32
      %mul3A_28 = arith.muli %add3A, %mul3A : i32
      %multiple_of3A = tpu.assume_multiple %mul3A_28, 128 : i32
      %get3A_29 = arith.index_cast %multiple_of3A : i32 to index
      %get3A_30 = arith.constant 0 : index
      %get3A_31 = vector.load %arg4[%get3A_29, %get3A_30] : memref<3072x768xf32, #tpu.memory_space<vmem>>, vector<128x768xf32>
      %get3A_32 = arith.index_cast %multiple_of3A : i32 to index
      %get3A_33 = arith.constant 0 : index
      %get3A_34 = vector.load %arg5[%get3A_32, %get3A_33] : memref<3072x1xf32, #tpu.memory_space<vmem>>, vector<128x1xf32>
      %dot_general3A = arith.constant dense<0.000000e+00> : vector<128x1536xf32>
      %dot_general3A_35 = tpu.matmul %get3A_31, %get3A_7, %dot_general3A {dimension_numbers = #tpu.dot_dimension_numbers<[1], [0], [0], [1], [0, 0, 1, 1], [], []>, transpose_lhs_hint = false} : vector<128x768xf32>, vector<768x1536xf32>, vector<128x1536xf32> -> vector<128x1536xf32>
      %dot_general3A_36 = arith.constant dense<0.000000e+00> : vector<128x1536xf32>
      %dot_general3A_37 = tpu.matmul %get3A_31, %get3A_12, %dot_general3A_36 {dimension_numbers = #tpu.dot_dimension_numbers<[1], [0], [0], [1], [0, 0, 1, 1], [], []>, transpose_lhs_hint = false} : vector<128x768xf32>, vector<768x1536xf32>, vector<128x1536xf32> -> vector<128x1536xf32>
      %logistic3A = arith.negf %dot_general3A_35 : vector<128x1536xf32>
      %logistic3A_38 = math.exp %logistic3A : vector<128x1536xf32>
      %logistic3A_39 = arith.constant 1.000000e+00 : f32
      %logistic3A_40 = vector.broadcast %logistic3A_39 : f32 to vector<128x1536xf32>
      %logistic3A_41 = arith.addf %logistic3A_40, %logistic3A_38 : vector<128x1536xf32>
      %logistic3A_42 = arith.divf %logistic3A_40, %logistic3A_41 : vector<128x1536xf32>
      %mul3A_43 = arith.mulf %dot_general3A_35, %logistic3A_42 : vector<128x1536xf32>
      %mul3A_44 = arith.mulf %mul3A_43, %dot_general3A_37 : vector<128x1536xf32>
      %dot_general3A_45 = arith.constant dense<0.000000e+00> : vector<128x768xf32>
      %dot_general3A_46 = tpu.matmul %mul3A_44, %get3A_17, %dot_general3A_45 {dimension_numbers = #tpu.dot_dimension_numbers<[1], [0], [0], [1], [0, 0, 1, 1], [], []>, transpose_lhs_hint = false} : vector<128x1536xf32>, vector<1536x768xf32>, vector<128x768xf32> -> vector<128x768xf32>
      %mul3A_47 = vector.broadcast %get3A_34 : vector<128x1xf32> to vector<128x768xf32>
      %mul3A_48 = arith.mulf %dot_general3A_46, %mul3A_47 : vector<128x768xf32>
      %eq3A = arith.constant 0 : i32
      %eq3A_49 = arith.cmpi eq, %arg1, %eq3A : i32
      %convert_element_type3A = arith.extui %eq3A_49 : i1 to i32
      %cond3A = arith.constant 0 : i32
      %cond3A_50 = arith.cmpi ne, %convert_element_type3A, %cond3A : i32
      scf.if %cond3A_50 {
        %swap3A = arith.index_cast %multiple_of3A : i32 to index
        %swap3A_55 = arith.constant 0 : index
        %swap3A_56 = vector.load %arg9[%swap3A, %swap3A_55] : memref<3072x768xf32, #tpu.memory_space<vmem>>, vector<128x768xf32>
        tpu.vector_store %arg9[%swap3A, %swap3A_55], %mul3A_48 {strides = array<i32>} : memref<3072x768xf32, #tpu.memory_space<vmem>>, vector<128x768xf32>,
      } else {
      }
      %ne3A = arith.constant 0 : i32
      %ne3A_51 = arith.cmpi ne, %arg1, %ne3A : i32
      %convert_element_type3A_52 = arith.extui %ne3A_51 : i1 to i32
      %cond3A_53 = arith.constant 0 : i32
      %cond3A_54 = arith.cmpi ne, %convert_element_type3A_52, %cond3A_53 : i32
      scf.if %cond3A_54 {
        %get3A_55 = arith.index_cast %multiple_of3A : i32 to index
        %get3A_56 = arith.constant 0 : index
        %get3A_57 = vector.load %arg9[%get3A_55, %get3A_56] : memref<3072x768xf32, #tpu.memory_space<vmem>>, vector<128x768xf32>
        %add3A_58 = arith.addf %get3A_57, %mul3A_48 : vector<128x768xf32>
        %swap3A = arith.index_cast %multiple_of3A : i32 to index
        %swap3A_59 = arith.constant 0 : index
        %swap3A_60 = vector.load %arg9[%swap3A, %swap3A_59] : memref<3072x768xf32, #tpu.memory_space<vmem>>, vector<128x768xf32>
        tpu.vector_store %arg9[%swap3A, %swap3A_59], %add3A_58 {strides = array<i32>} : memref<3072x768xf32, #tpu.memory_space<vmem>>, vector<128x768xf32>,
      } else {
      }
    }
    %while3A_26 = arith.constant 1 : i32
    scf.for %while3A_27 = %while3A_24 to %while3A_20 step %while3A_26  : i32 {
      %add3A = arith.addi %get3A_0, %while3A_27 : i32
      %mul3A = arith.constant 128 : i32
      %mul3A_28 = arith.muli %add3A, %mul3A : i32
      %multiple_of3A = tpu.assume_multiple %mul3A_28, 128 : i32
      %get3A_29 = arith.index_cast %multiple_of3A : i32 to index
      %get3A_30 = arith.constant 0 : index
      %get3A_31 = vector.load %arg4[%get3A_29, %get3A_30] : memref<3072x768xf32, #tpu.memory_space<vmem>>, vector<128x768xf32>
      %get3A_32 = arith.index_cast %multiple_of3A : i32 to index
      %get3A_33 = arith.constant 0 : index
      %get3A_34 = vector.load %arg5[%get3A_32, %get3A_33] : memref<3072x1xf32, #tpu.memory_space<vmem>>, vector<128x1xf32>
      %dot_general3A = arith.constant dense<0.000000e+00> : vector<128x1536xf32>
      %dot_general3A_35 = tpu.matmul %get3A_31, %get3A_7, %dot_general3A {dimension_numbers = #tpu.dot_dimension_numbers<[1], [0], [0], [1], [0, 0, 1, 1], [], []>, transpose_lhs_hint = false} : vector<128x768xf32>, vector<768x1536xf32>, vector<128x1536xf32> -> vector<128x1536xf32>
      %dot_general3A_36 = arith.constant dense<0.000000e+00> : vector<128x1536xf32>
      %dot_general3A_37 = tpu.matmul %get3A_31, %get3A_12, %dot_general3A_36 {dimension_numbers = #tpu.dot_dimension_numbers<[1], [0], [0], [1], [0, 0, 1, 1], [], []>, transpose_lhs_hint = false} : vector<128x768xf32>, vector<768x1536xf32>, vector<128x1536xf32> -> vector<128x1536xf32>
      %logistic3A = arith.negf %dot_general3A_35 : vector<128x1536xf32>
      %logistic3A_38 = math.exp %logistic3A : vector<128x1536xf32>
      %logistic3A_39 = arith.constant 1.000000e+00 : f32
      %logistic3A_40 = vector.broadcast %logistic3A_39 : f32 to vector<128x1536xf32>
      %logistic3A_41 = arith.addf %logistic3A_40, %logistic3A_38 : vector<128x1536xf32>
      %logistic3A_42 = arith.divf %logistic3A_40, %logistic3A_41 : vector<128x1536xf32>
      %mul3A_43 = arith.mulf %dot_general3A_35, %logistic3A_42 : vector<128x1536xf32>
      %mul3A_44 = arith.mulf %mul3A_43, %dot_general3A_37 : vector<128x1536xf32>
      %dot_general3A_45 = arith.constant dense<0.000000e+00> : vector<128x768xf32>
      %dot_general3A_46 = tpu.matmul %mul3A_44, %get3A_17, %dot_general3A_45 {dimension_numbers = #tpu.dot_dimension_numbers<[1], [0], [0], [1], [0, 0, 1, 1], [], []>, transpose_lhs_hint = false} : vector<128x1536xf32>, vector<1536x768xf32>, vector<128x768xf32> -> vector<128x768xf32>
      %mul3A_47 = vector.broadcast %get3A_34 : vector<128x1xf32> to vector<128x768xf32>
      %mul3A_48 = arith.mulf %dot_general3A_46, %mul3A_47 : vector<128x768xf32>
      %eq3A = arith.constant 0 : i32
      %eq3A_49 = arith.cmpi eq, %arg1, %eq3A : i32
      %convert_element_type3A = arith.extui %eq3A_49 : i1 to i32
      %cond3A = arith.constant 0 : i32
      %cond3A_50 = arith.cmpi ne, %convert_element_type3A, %cond3A : i32
      scf.if %cond3A_50 {
        %swap3A = arith.index_cast %multiple_of3A : i32 to index
        %swap3A_55 = arith.constant 0 : index
        %swap3A_56 = vector.load %arg9[%swap3A, %swap3A_55] : memref<3072x768xf32, #tpu.memory_space<vmem>>, vector<128x768xf32>
        tpu.vector_store %arg9[%swap3A, %swap3A_55], %mul3A_48 {strides = array<i32>} : memref<3072x768xf32, #tpu.memory_space<vmem>>, vector<128x768xf32>,
      } else {
      }
      %ne3A = arith.constant 0 : i32
      %ne3A_51 = arith.cmpi ne, %arg1, %ne3A : i32
      %convert_element_type3A_52 = arith.extui %ne3A_51 : i1 to i32
      %cond3A_53 = arith.constant 0 : i32
      %cond3A_54 = arith.cmpi ne, %convert_element_type3A_52, %cond3A_53 : i32
      scf.if %cond3A_54 {
        %get3A_55 = arith.index_cast %multiple_of3A : i32 to index
        %get3A_56 = arith.constant 0 : index
        %get3A_57 = vector.load %arg9[%get3A_55, %get3A_56] : memref<3072x768xf32, #tpu.memory_space<vmem>>, vector<128x768xf32>
        %add3A_58 = arith.addf %get3A_57, %mul3A_48 : vector<128x768xf32>
        %swap3A = arith.index_cast %multiple_of3A : i32 to index
        %swap3A_59 = arith.constant 0 : index
        %swap3A_60 = vector.load %arg9[%swap3A, %swap3A_59] : memref<3072x768xf32, #tpu.memory_space<vmem>>, vector<128x768xf32>
        tpu.vector_store %arg9[%swap3A, %swap3A_59], %add3A_58 {strides = array<i32>} : memref<3072x768xf32, #tpu.memory_space<vmem>>, vector<128x768xf32>,
      } else {
      }
    }
    return
  }
  func.func @transform_0(%arg0: i32, %arg1: i32, %arg2: memref<8xi32, #tpu.memory_space<smem>>, %arg3: memref<8xi32, #tpu.memory_space<smem>>) -> (i32, i32) {
    %c0_i32 = arith.constant 0 : i32
    %c0_i32_0 = arith.constant 0 : i32
    %c0_i32_1 = arith.constant 0 : i32
    return %c0_i32, %c0_i32_0 : i32, i32
  }
  func.func @transform_1(%arg0: i32, %arg1: i32, %arg2: memref<8xi32, #tpu.memory_space<smem>>, %arg3: memref<8xi32, #tpu.memory_space<smem>>) -> (i32, i32) {
    %c0_i32 = arith.constant 0 : i32
    %c0_i32_0 = arith.constant 0 : i32
    %c0_i32_1 = arith.constant 0 : i32
    return %c0_i32, %c0_i32_0 : i32, i32
  }
  func.func @transform_2(%arg0: i32, %arg1: i32, %arg2: memref<8xi32, #tpu.memory_space<smem>>, %arg3: memref<8xi32, #tpu.memory_space<smem>>) -> (i32, i32, i32) {
    %c0_i32 = arith.constant 0 : i32
    %c0_i32_0 = arith.constant 0 : i32
    return %arg0, %c0_i32, %arg1 : i32, i32, i32
  }
  func.func @transform_3(%arg0: i32, %arg1: i32, %arg2: memref<8xi32, #tpu.memory_space<smem>>, %arg3: memref<8xi32, #tpu.memory_space<smem>>) -> (i32, i32, i32) {
    %c0_i32 = arith.constant 0 : i32
    %c0_i32_0 = arith.constant 0 : i32
    return %arg0, %c0_i32, %arg1 : i32, i32, i32
  }
  func.func @transform_4(%arg0: i32, %arg1: i32, %arg2: memref<8xi32, #tpu.memory_space<smem>>, %arg3: memref<8xi32, #tpu.memory_space<smem>>) -> (i32, i32, i32) {
    %c0_i32 = arith.constant 0 : i32
    %c0_i32_0 = arith.constant 0 : i32
    return %arg0, %arg1, %c0_i32 : i32, i32, i32
  }
  func.func @transform_5(%arg0: i32, %arg1: i32, %arg2: memref<8xi32, #tpu.memory_space<smem>>, %arg3: memref<8xi32, #tpu.memory_space<smem>>) -> (i32, i32) {
    %c0_i32 = arith.constant 0 : i32
    %c0_i32_0 = arith.constant 0 : i32
    %c0_i32_1 = arith.constant 0 : i32
    return %c0_i32, %c0_i32_0 : i32, i32
  }
}

</mosaic_0001>

<sc_bundles>
// kernel: kernel.6.cloned.1.call-start
scs
__scs_entry_jumppad:
0x0: {  	(pc) =	sbr.rel $0x88, $3  }
0x1: {  	(tag) =	ssettag $0x0;
	lr =	simm.s32 $0x1  }
0x2: {  	[smem:$0x3F9C] =	sst lr;
	_ =	strace $0xD0000000  }
0x3: {  	_ = 	snop  }
0x4: {  	_ = 	snop  }
0x5: {  	_ = 	snop  }
0x6: {  	_ = 	snop  }
0x7: {  	_ = 	snop  }
__scs_overlays_trampoline_lowered:
0x8: {  	[smem:$0x3FAB] =	sst s0  }
0x9: {  	[smem:$0x3FAC] =	sst s1  }
0xa: {  	[smem:$0x3FAD] =	sst s2  }
0xb: {  	[smem:$0x3FAE] =	sst s3  }
0xc: {  	[smem:$0x3FAF] =	sst s4  }
0xd: {  	[smem:$0x3FB0] =	sst s5  }
0xe: {  	[smem:$0x3FB1] =	sst s6  }
0xf: {  	[smem:$0x3FB2] =	sst s7  }
0x10: {  	[smem:$0x3FB3] =	sst s8  }
0x11: {  	[smem:$0x3FB4] =	sst s9;
	s0 =	simm.s32 @!p0 $0x0  }
0x12: {  	s1 =	sld [smem:$0x3F9A];
	s0 =	simm.s32 @p0 $0x1  }
0x13: {  	[smem:$0x3FB5] =	sst s0;
	s0 =	simm.s32 @!p1 $0x0  }
0x14: {  	s2 =	sld [smem:$0x3F99];
	s0 =	simm.s32 @p1 $0x1  }
0x15: {  	[smem:$0x3FB6] =	sst s0;
	s0 =	simm.s32 @!p2 $0x0  }
0x16: {  	s3 =	sld [smem:$0x3FDB];
	s0 =	simm.s32 @p2 $0x1  }
0x17: {  	s4 =	simm.s32 $0x1BF5;
	[smem:$0x3FB8] =	sst s0  }
0x18: {  	s0 =	sld [smem:$0x3F9B];
	_ =	swait.ge [sflag:s4], $0x0  }
0x19: {  	s7 =	sld [smem:$0x3F9C]  }
0x1a: {  	s8 =	sadd.s32 $0xFFFFE003, lr  }
0x1b: {  	s9 =	sadd.s32 $0xFFFFFEF7, lr;
	s5 =	simm.s32 $0xFFFFFFFF;
	p2 =	slt.u32 s8, $0xFFFFF086  }
0x1c: {  	p1 =	slt.u32 s9, $0xF7A;
	s5 =	simm.s32 @!p2 $0x0  }
0x1d: {  	s5 =	simm.s32 @p1 $0x1;
	p0 =	seq.s32 s7, s2  }
0x1e: {  	s7 =	smul.u32 @!p0 $0xF7A, s2;
	p2 =	seq.s32 @!p0 s5, $0x0  }
0x1f: {  	s9 =	smul.u32 $0xF7A, s1;
	s8 =	simm.s32 @!p0 $0x1BF5;
	p2 =	por !p2, p0  }
0x20: {  	[sflag:s8] =	ssyncset.s32 @!p0 $0xFFFFF086;
	s6 =	sadd.s32 @!p0 s3, s7;
	s7 =	simm.s32 @!p0 $0x108  }
0x21: {  	s3 =	sadd.s32 s3, s9;
	s6 =	sadd.s32 @!p0 $0x88, s6;
	s7 =	simm.s32 @p2 $0x1082  }
0x22: {  	[simem:s7], [sflag:s8] =	dma.local @!p0 [hbm:s6], $0xF7A  }
0x23: {  	s9 =	sor.u32 $0xD0000000, s2;
	s6 =	simm.s32 $0x108;
	_ =	swait.ge @!p0 [sflag:s8], $0x0  }
0x24: {  	s3 =	sadd.s32 $0x88, s3;
	s6 =	simm.s32 @!p1 $0x1082;
	[sflag:s4] =	ssyncset.s32 $0xFFFFF086  }
0x25: {  	[simem:s6], [sflag:s4] =	dma.local [hbm:s3], $0xF7A  }
0x26: {  	[smem:$0x3F9C] =	sst s1;
	(tag) =	ssettag s2;
	_ =	strace s9  }
0x27: {  	s1 =	sld [smem:$0x3FAC]  }
0x28: {  	s2 =	sld [smem:$0x3FAD]  }
0x29: {  	s4 =	sld [smem:$0x3FAF]  }
0x2a: {  	p0 =	seq.s32 s5, $0x0;
	s5 =	sld [smem:$0x3FB0]  }
0x2b: {  	s6 =	sld [smem:$0x3FB1]  }
0x2c: {  	s7 =	sld [smem:$0x3FB2]  }
0x2d: {  	s3 =	simm.s32 $0x108;
	s8 =	sld [smem:$0x3FB3]  }
0x2e: {  	s3 =	simm.s32 @!p0 $0x1082;
	s9 =	sld [smem:$0x3FB4]  }
0x2f: {  	lr =	sadd.s32 s0, s3;
	s0 =	sld [smem:$0x3FAB]  }
0x30: {  	s3 =	sld [smem:$0x3FAE]  }
0x31: {  	[smem:$0x3FB7] =	sst s10  }
0x32: {  	s10 =	sld [smem:$0x3FB5];
	_ =	sdelay $0x3  }
0x33: {  	p0 =	seq.s32 s10, $0x1;
	s10 =	sld [smem:$0x3FB7];
	_ =	sdelay $0x3  }
0x34: {  	[smem:$0x3FB7] =	sst s10  }
0x35: {  	s10 =	sld [smem:$0x3FB6];
	_ =	sdelay $0x3  }
0x36: {  	p1 =	seq.s32 s10, $0x1;
	s10 =	sld [smem:$0x3FB7];
	_ =	sdelay $0x3  }
0x37: {  	[smem:$0x3FB7] =	sst s10  }
0x38: {  	s10 =	sld [smem:$0x3FB8]  }
0x39: {  	_ = 	snop;
	(pc) =	sbr.ind lr, $3  }
0x3a: {  	_ = 	snop  }
0x3b: {  	_ = 	snop  }
0x3c: {  	p2 =	seq.s32 s10, $0x1;
	s10 =	sld [smem:$0x3FB7]  }
0x3d: {  	_ =	shalt  }
0x3e: {  	_ =	shalt  }
0x3f: {  	_ =	shalt  }
0x40: {  	_ =	shalt  }
0x41: {  	_ =	shalt  }
0x42: {  	_ =	shalt  }
0x43: {  	_ =	shalt  }
0x44: {  	_ =	shalt  }
0x45: {  	_ =	shalt  }
0x46: {  	_ =	shalt  }
0x47: {  	_ =	shalt  }
0x48: {  	_ =	shalt  }
0x49: {  	_ =	shalt  }
0x4a: {  	_ =	shalt  }
0x4b: {  	_ =	shalt  }
0x4c: {  	_ =	shalt  }
0x4d: {  	_ =	shalt  }
0x4e: {  	_ =	shalt  }
0x4f: {  	_ =	shalt  }
0x50: {  	_ =	shalt  }
0x51: {  	_ =	shalt  }
0x52: {  	_ =	shalt  }
0x53: {  	_ =	shalt  }
0x54: {  	_ =	shalt  }
0x55: {  	_ =	shalt  }
0x56: {  	_ =	shalt  }
0x57: {  	_ =	shalt  }
0x58: {  	_ =	shalt  }
0x59: {  	_ =	shalt  }
0x5a: {  	_ =	shalt  }
0x5b: {  	_ =	shalt  }
0x5c: {  	_ =	shalt  }
0x5d: {  	_ =	shalt  }
0x5e: {  	_ =	shalt  }
0x5f: {  	_ =	shalt  }
0x60: {  	_ =	shalt  }
0x61: {  	_ =	shalt  }
0x62: {  	_ =	shalt  }
0x63: {  	_ =	shalt  }
0x64: {  	_ =	shalt  }
0x65: {  	_ =	shalt  }
0x66: {  	_ =	shalt  }
0x67: {  	_ =	shalt  }
0x68: {  	_ =	shalt  }
0x69: {  	_ =	shalt  }
0x6a: {  	_ =	shalt  }
0x6b: {  	_ =	shalt  }
0x6c: {  	_ =	shalt  }
0x6d: {  	_ =	shalt  }
0x6e: {  	_ =	shalt  }
0x6f: {  	_ =	shalt  }
0x70: {  	_ =	shalt  }
0x71: {  	_ =	shalt  }
0x72: {  	_ =	shalt  }
0x73: {  	_ =	shalt  }
0x74: {  	_ =	shalt  }
0x75: {  	_ =	shalt  }
0x76: {  	_ =	shalt  }
0x77: {  	_ =	shalt  }
0x78: {  	_ =	shalt  }
0x79: {  	_ =	shalt  }
0x7a: {  	_ =	shalt  }
0x7b: {  	_ =	shalt  }
0x7c: {  	_ =	shalt  }
0x7d: {  	_ =	shalt  }
0x7e: {  	_ =	shalt  }
0x7f: {  	_ =	shalt  }
0x80: {  	_ =	shalt  }
0x81: {  	_ =	shalt  }
0x82: {  	_ =	shalt  }
0x83: {  	_ =	shalt  }
0x84: {  	_ =	shalt  }
0x85: {  	_ =	shalt  }
0x86: {  	_ =	shalt  }
0x87: {  	_ =	shalt  }
.Lfunc_end0:
.L_simem_size_0:
called_computation_lowered:
.L_overlay_start_0:
0x88: {  	s2 =	sld [smem:$0x3FD9]  }
0x89: {  	s3 =	sld [smem:$0x3FFE];
	_ =	sdelay $0x1  }
0x8a: {  	s1 =	srdreg.scid  }
0x8b: {  	s0 =	sand.u32 $0x1, s1  }
0x8c: {  	s14 =	sshll.u32 s0, $0xA;
	s2 =	sadd.s32 s3, s2  }
0x8d: {  	s2 =	sadd.s32 s2, s14  }
0x8e: {  	[smem:$0x3FC3] =	sst s2  }
0x8f: {  	_ = 	snop  }
0x90: {  	s2 =	sld [smem:$0x3FD0];
	_ =	sdelay $0x2  }
0x91: {  	s4 =	simm.s32 $0xA;
	s5 =	simm.s32 $0x10;
	s15 =	sld [smem:$0x3FC9]  }
0x92: {  	[smem:s5], [sflag:s4] =	dma.local [hbm:s2], $0x1  }
0x93: {  	_ =	swait.eq [sflag:s4], $0x1  }
0x94: {  	[sflag:s4] =	ssyncset.done $0x0  }
0x95: {  	[sflag:s4] =	ssyncadd.s32 $0xFFFFFFFF  }
0x96: {  	s16 =	sld [smem:$0x10];
	(tm) =	ssettm $0x1  }
0x97: {  	s17 =	sld [smem:$0x3FFB];
	_ =	sdelay $0x3  }
0x98: {  	_ =	strace s17  }
0x99: {  	s4 =	sld [smem:$0x3FFC];
	_ =	sdelay $0x3  }
0x9a: {  	_ =	strace s4  }
0x9b: {  	s4 =	sld [smem:$0x3FFD];
	_ =	sdelay $0x3  }
0x9c: {  	_ =	strace s4  }
0x9d: {  	_ =	strace $0x8FFFFFFF  }
0x9e: {  	s18 =	sld [smem:$0x3FDB];
	_ =	sdelay $0x1  }
0x9f: {  	s19 =	simm.s32 $_scs_section_size  }
0xa0: {  	s6 =	simm.s32 $_size__tile_overlayer_lowered;
	s7 =	simm.s32 $_tile_overlayer_lowered  }
0xa1: {  	s22 =	simm.s32 $0x1BFF;
	s21 =	sshll.u32 s7, $0x1;
	s4 =	sadd.s32 s19, s18  }
0xa2: {  	s8 =	simm.s32 $0x0;
	s20 =	sshll.u32 s6, $0x1;
	s6 =	sadd.s32 s21, s4  }
0xa3: {  	[timem:s8], [sflag:s22] =	dma.local [hbm:s6], s20  }
0xa4: {  	_ =	swait.ge [sflag:s22], s20  }
0xa5: {  	s5 =	ssub.s32 $0x0, s20;
	[sflag:s22] =	ssyncset.done $0x0  }
0xa6: {  	[sflag:s22] =	ssyncadd.s32 s5;
	_ =	sdelay $0x1  }
0xa7: {  	s23 =	simm.s32 $0x1B8B  }
0xa8: {  	_ =	swait.ge [sflag:s23], $0x1  }
0xa9: {  	[sflag:s23] =	ssyncset.done $0x0  }
0xaa: {  	s25 =	simm.s32 $0x1B8E;
	s24 =	sld [smem:$0x3FFE];
	[sflag:s23] =	ssyncadd.s32 $0xFFFFFFFF  }
0xab: {  	s26 =	simm.s32 $execute0_lowered;
	[smem:$0x3FD2] =	sst s25  }
0xac: {  	s6 =	sshll.u32 s26, $0x1;
	_ =	strace $0x80000046;
	[dreg:$0x1] =	wrdreg $0xFFFFFFFF  }
0xad: {  	s28 =	simm.s32 $_size_execute0_lowered;
	s4 =	sadd.s32 s4, s6;
	[dreg:$0x0] =	wrdreg $0x0  }
0xae: {  	s6 =	sshll.u32 s28, $0x1;
	[dreg:$0x2] =	wrdreg s4  }
0xaf: {  	[dreg:$0x3] =	wrdreg s6  }
0xb0: {  	[dreg:$0x4] =	wrdreg $0xC0  }
0xb1: {  	_ =	task [dreg:s8], $0x5FFFF  }
0xb2: {  	[dreg:$0x1] =	wrdreg $0xFFFFFFFF  }
0xb3: {  	[dreg:$0x0] =	wrdreg $0x60  }
0xb4: {  	[dreg:$0x2] =	wrdreg s15  }
0xb5: {  	[dreg:$0x3] =	wrdreg s24  }
0xb6: {  	[dreg:$0x4] =	wrdreg s16  }
0xb7: {  	[dreg:$0x5] =	wrdreg $0x9  }
0xb8: {  	_ =	task.clear_ibuf [dreg:s8], $0x6FFFF;
	_ =	strace $0x90000046  }
0xb9: {  	s29 =	simm.s32 $0x9;
	_ =	strace $0x80000048  }
0xba: {  	_ =	swait.ge [sflag:s29], $0x1  }
0xbb: {  	[sflag:s29] =	ssyncadd.s32 $0xFFFFFFFF  }
0xbc: {  	_ =	strace $0x90000048  }
0xbd: {  	_ =	sfence  }
0xbe: {  	s30 =	sld [smem:$0x0];
	_ =	sdelay $0x2  }
0xbf: {  	s31 =	sshll.u32 s1, $0xD;
	s1 =	sshrl.u32 s1, $0x2  }
0xc0: {  	s3 =	sand.u32 $0x4000, s31;
	s1 =	sadd.s32 s1, s30  }
0xc1: {  	s0 =	sor.u32 s3, s0;
	s1 =	sshll.u32 s1, $0x11  }
0xc2: {  	s0 =	sor.u32 s1, s0  }
0xc3: {  	s0 =	sadd.s32 $0x8F2B, s0  }
0xc4: {  	[sflag:s0] =	ssyncadd.remote.s32 $0x1  }
0xc5: {  	_ =	sfence.sel $0xFFFF  }
0xc6: {  	[dreg:$0x0] =	wrdreg $0xFFFFFFFF;
	(pc) =	sbr.abs _section_cstart, $3  }
0xc7: {  	[dreg:$0x1] =	wrdreg $0xFFFFFFFF  }
0xc8: {  	_ =	task.clear_ibuf [dreg:s8], $0x2FFFF;
	_ =	strace $0x9FFFFFFF  }
0xc9: {  	(tm) =	ssettm $0x7FFFFFFF  }
tec
execute0_lowered:
.L_overlay_start_1:
0x0: {  	(tag) =	ssettag $0x1  }
0x1: {  	s1 =	rddreg [dreg:$0x0]  }
0x2: {  	s5 =	rddreg [dreg:$0x1];
	s2 =	srdreg.scid  }
0x3: {  	s3 =	rddreg [dreg:$0x2];
	s0 =	stileid.u32;
	s23 =	simm.s32 $0x880  }
0x4: {  	s24 =	simm.s32 $0x1080;
	s25 =	simm.s32 $0x1880;
	s8 =	simm.s32 $0x80  }
0x5: {  	s26 =	simm.s32 $0x2080;
	s9 =	simm.s32 $0xC080;
	s11 =	simm.s32 $0x3080  }
0x6: {  	s12 =	simm.s32 $0x3880;
	s13 =	simm.s32 $0x4080;
	s14 =	simm.s32 $0x4880  }
0x7: {  	s15 =	simm.s32 $0x5080;
	s16 =	simm.s32 $0x5880;
	s17 =	simm.s32 $0x6080  }
0x8: {  	s18 =	simm.s32 $0x6880;
	s19 =	simm.s32 $0x7080;
	s28 =	simm.s32 $0xB080  }
0x9: {  	s4 =	sand.u32 $0x1, s2;
	[dreg:$0x4] =	wrdreg s3;
	s2 =	simm.s32 $0x0  }
0xa: {  	s29 =	simm.s32 $0xB880;
	s30 =	simm.s32 $0x40;
	[smem:$0x7FF] =	sst s2  }
0xb: {  	s31 =	simm.s32 $0x1;
	_ =	strace $0x80000047;
	[dreg:$0x8] =	wrdreg s23  }
0xc: {  	s20 =	sshll.u32 s0, $0x7;
	s6 =	sshll.u32 s4, $0x6;
	[dreg:$0x9] =	wrdreg s24  }
0xd: {  	s4 =	ssub.s32 $0x2, s4;
	s3 =	sor.u32 s6, s20;
	[dreg:$0xa] =	wrdreg s25  }
0xe: {  	s21 =	sshrl.u32 s4, $0x1;
	[dreg:$0xb] =	wrdreg s26;
	s20 =	simm.s32 $0x7880  }
0xf: {  	s23 =	simm.s32 $0x9080;
	s24 =	simm.s32 $0x9880;
	s25 =	simm.s32 $0xA080  }
0x10: {  	s26 =	simm.s32 $0xA880;
	s6 =	sshrl.u32 s3, $0x3;
	s3 =	sshll.u32 s3, $0x4  }
0x11: {  	s7 =	sadd.s32 s6, s5;
	s6 =	smul.u32 $0x300, s6;
	s3 =	sadd.s32 s3, s5  }
0x12: {  	s7 =	sadd.s32 $0x9000, s7;
	s22 =	sadd.s32 $0xC00, s3;
	s3 =	sadd.s32 $0x9200, s5  }
0x13: {  	[dreg:$0x5] =	wrdreg s7;
	s1 =	sadd.s32 s1, s6;
	s6 =	ssub.s32 s4, s21  }
0x14: {  	v2 =	vlaneseq.u32;
	[dreg:$0x7] =	wrdreg s22;
	s4 =	sadd.s32 $0x9300, s5;
	s5 =	sadd.s32 $0x9400, s5  }
0x15: {  	vm0 =	vmmov $0xffff;
	v1 =	vshrl.u32 v2, $0x3;
	s7 =	simm.s32 $0x3;
	s21 =	simm.s32 $0x8080;
	s22 =	simm.s32 $0x8880  }
0x16: {  	v0 =	vand.u32 $0x7, v2;
	v2 =	vor.u32 $0x8, v2;
	v1 =	vmul.u32 $0x8, v1;
	[dreg:$0x6] =	wrdreg s1;
	s6 =	smax.u32 s6, $0x1;
	s1 =	simm.s32 $0x2  }
.LBB2_1:
0x17: {  	s0 =	rddreg [dreg:$0x5]  }
0x18: {  	[tilespmem:s2], [sflag:$0x3] =	stream.linear.gather [hbm4b:s0+s2], $0x40, $0x38;
	[tilespmem:$0xE080] =	vst v63  }
0x19: {  	_ =	swait.ge [sflag:s7], $0x40  }
0x1a: {  	[sflag:s7] =	ssyncset.done $0x0  }
0x1b: {  	s10 =	rddreg [dreg:$0x6];
	[sflag:s7] =	ssyncadd.s32 $0xFFFFFFC0  }
0x1c: {  	[tilespmem:s8], [sflag:$0x3] =	stream.linear.gather [hbm4b:s10+s2], $0xC000, $0x38;
	[tilespmem:$0xE080] =	vst v63  }
0x1d: {  	_ =	swait.ge [sflag:s7], $0xC000  }
0x1e: {  	[sflag:s7] =	ssyncset.done $0x0  }
0x1f: {  	s10 =	rddreg [dreg:$0x7];
	[sflag:s7] =	ssyncadd.s32 $0xFFFF4000  }
0x20: {  	[tilespmem:s9], [sflag:$0x3] =	stream.linear.gather [hbm4b:s10+s2], $0x2000, $0x38;
	[tilespmem:$0xE080] =	vst v63  }
0x21: {  	_ =	swait.ge [sflag:s7], $0x2000  }
0x22: {  	[sflag:s7] =	ssyncset.done $0x0  }
0x23: {  	[sflag:s7] =	ssyncadd.s32 $0xFFFFE000  }
0x24: {  	v3 =	vld [tilespmem:$0x0];
	_ =	sdelay $0x4  }
0x25: {  	v4 =	vshrl.u32 v3, $0x3  }
0x26: {  	v4 =	vmul.u32 $0x30, v4  }
0x27: {  	v3 =	vand.u32 $0x7, v3  }
0x28: {  	v3 =	vor.u32 v3, v4  }
0x29: {  	v4 =	vperm.xlane v3, v0;
	_ =	sdelay $0x1  }
0x2a: {  	v4 =	vadd.s32 v1, v4;
	_ =	sdelay $0x3  }
0x2b: {  	v3 =	vperm.xlane v3, v2  }
0x2c: {  	[hbm4b:s3+s2] =	stream.indirect_vreg.scatter [tilespmem:s8], [sflag:$0x1], $0x80, v4, vm0, $0xb8;
	[tilespmem:$0xE080] =	vst v63  }
0x2d: {  	s0 =	rddreg [dreg:$0x8];
	v3 =	vadd.s32 v1, v3  }
0x2e: {  	[hbm4b:s4+s2] =	stream.indirect_vreg.scatter [tilespmem:s0], [sflag:$0x1], $0x80, v4, vm0, $0xb8;
	[tilespmem:$0xE080] =	vst v63  }
0x2f: {  	s10 =	rddreg [dreg:$0x9]  }
0x30: {  	[hbm4b:s5+s2] =	stream.indirect_vreg.scatter [tilespmem:s10], [sflag:$0x1], $0x80, v4, vm0, $0xb8;
	[tilespmem:$0xE080] =	vst v63  }
0x31: {  	s0 =	rddreg [dreg:$0xa]  }
0x32: {  	[hbm4b:s3+s2] =	stream.indirect_vreg.scatter [tilespmem:s0], [sflag:$0x1], $0x80, v3, vm0, $0xb8;
	[tilespmem:$0xE080] =	vst v63  }
0x33: {  	s10 =	rddreg [dreg:$0xb]  }
0x34: {  	[hbm4b:s4+s2] =	stream.indirect_vreg.scatter [tilespmem:s10], [sflag:$0x1], $0x80, v3, vm0, $0xb8;
	[tilespmem:$0xE080] =	vst v63  }
0x35: {  	s10 =	simm.s32 $0x2880  }
0x36: {  	[hbm4b:s5+s2] =	stream.indirect_vreg.scatter [tilespmem:s10], [sflag:$0x1], $0x80, v3, vm0, $0xb8;
	[tilespmem:$0xE080] =	vst v63  }
0x37: {  	v3 =	vld [tilespmem:$0x10];
	_ =	sdelay $0x4  }
0x38: {  	v61 =	vshrl.u32 v3, $0x3  }
0x39: {  	v4 =	vmul.u32 $0x30, v61  }
0x3a: {  	v3 =	vand.u32 $0x7, v3  }
0x3b: {  	v3 =	vor.u32 v3, v4  }
0x3c: {  	v4 =	vperm.xlane v3, v0;
	_ =	sdelay $0x1  }
0x3d: {  	v4 =	vadd.s32 v1, v4;
	_ =	sdelay $0x3  }
0x3e: {  	v3 =	vperm.xlane v3, v2  }
0x3f: {  	[hbm4b:s3+s2] =	stream.indirect_vreg.scatter [tilespmem:s11], [sflag:$0x1], $0x80, v4, vm0, $0xb8;
	[tilespmem:$0xE080] =	vst v63  }
0x40: {  	v3 =	vadd.s32 v1, v3  }
0x41: {  	[hbm4b:s4+s2] =	stream.indirect_vreg.scatter [tilespmem:s12], [sflag:$0x1], $0x80, v4, vm0, $0xb8;
	[tilespmem:$0xE080] =	vst v63  }
0x42: {  	_ = 	snop  }
0x43: {  	[hbm4b:s5+s2] =	stream.indirect_vreg.scatter [tilespmem:s13], [sflag:$0x1], $0x80, v4, vm0, $0xb8;
	[tilespmem:$0xE080] =	vst v63  }
0x44: {  	_ = 	snop  }
0x45: {  	[hbm4b:s3+s2] =	stream.indirect_vreg.scatter [tilespmem:s14], [sflag:$0x1], $0x80, v3, vm0, $0xb8;
	[tilespmem:$0xE080] =	vst v63  }
0x46: {  	_ = 	snop  }
0x47: {  	[hbm4b:s4+s2] =	stream.indirect_vreg.scatter [tilespmem:s15], [sflag:$0x1], $0x80, v3, vm0, $0xb8;
	[tilespmem:$0xE080] =	vst v63  }
0x48: {  	_ = 	snop  }
0x49: {  	[hbm4b:s5+s2] =	stream.indirect_vreg.scatter [tilespmem:s16], [sflag:$0x1], $0x80, v3, vm0, $0xb8;
	[tilespmem:$0xE080] =	vst v63  }
0x4a: {  	v3 =	vld [tilespmem:$0x20];
	_ =	sdelay $0x4  }
0x4b: {  	v62 =	vshrl.u32 v3, $0x3  }
0x4c: {  	v4 =	vmul.u32 $0x30, v62  }
0x4d: {  	v3 =	vand.u32 $0x7, v3  }
0x4e: {  	v3 =	vor.u32 v3, v4  }
0x4f: {  	v4 =	vperm.xlane v3, v0;
	_ =	sdelay $0x1  }
0x50: {  	v4 =	vadd.s32 v1, v4;
	_ =	sdelay $0x3  }
0x51: {  	v3 =	vperm.xlane v3, v2  }
0x52: {  	[hbm4b:s3+s2] =	stream.indirect_vreg.scatter [tilespmem:s17], [sflag:$0x1], $0x80, v4, vm0, $0xb8;
	[tilespmem:$0xE080] =	vst v63  }
0x53: {  	v3 =	vadd.s32 v1, v3  }
0x54: {  	[hbm4b:s4+s2] =	stream.indirect_vreg.scatter [tilespmem:s18], [sflag:$0x1], $0x80, v4, vm0, $0xb8;
	[tilespmem:$0xE080] =	vst v63  }
0x55: {  	_ = 	snop  }
0x56: {  	[hbm4b:s5+s2] =	stream.indirect_vreg.scatter [tilespmem:s19], [sflag:$0x1], $0x80, v4, vm0, $0xb8;
	[tilespmem:$0xE080] =	vst v63  }
0x57: {  	_ = 	snop  }
0x58: {  	[hbm4b:s3+s2] =	stream.indirect_vreg.scatter [tilespmem:s20], [sflag:$0x1], $0x80, v3, vm0, $0xb8;
	[tilespmem:$0xE080] =	vst v63  }
0x59: {  	_ = 	snop  }
0x5a: {  	[hbm4b:s4+s2] =	stream.indirect_vreg.scatter [tilespmem:s21], [sflag:$0x1], $0x80, v3, vm0, $0xb8;
	[tilespmem:$0xE080] =	vst v63  }
0x5b: {  	_ = 	snop  }
0x5c: {  	[hbm4b:s5+s2] =	stream.indirect_vreg.scatter [tilespmem:s22], [sflag:$0x1], $0x80, v3, vm0, $0xb8;
	[tilespmem:$0xE080] =	vst v63  }
0x5d: {  	v3 =	vld [tilespmem:$0x30];
	_ =	sdelay $0x4  }
0x5e: {  	v63 =	vshrl.u32 v3, $0x3  }
0x5f: {  	v4 =	vmul.u32 $0x30, v63  }
0x60: {  	v3 =	vand.u32 $0x7, v3  }
0x61: {  	v3 =	vor.u32 v3, v4  }
0x62: {  	v4 =	vperm.xlane v3, v0;
	_ =	sdelay $0x1  }
0x63: {  	v4 =	vadd.s32 v1, v4;
	_ =	sdelay $0x3  }
0x64: {  	v3 =	vperm.xlane v3, v2  }
0x65: {  	[hbm4b:s3+s2] =	stream.indirect_vreg.scatter [tilespmem:s23], [sflag:$0x1], $0x80, v4, vm0, $0xb8;
	[tilespmem:$0xE080] =	vst v63  }
0x66: {  	v3 =	vadd.s32 v1, v3  }
0x67: {  	[hbm4b:s4+s2] =	stream.indirect_vreg.scatter [tilespmem:s24], [sflag:$0x1], $0x80, v4, vm0, $0xb8;
	[tilespmem:$0xE080] =	vst v63  }
0x68: {  	_ = 	snop  }
0x69: {  	[hbm4b:s5+s2] =	stream.indirect_vreg.scatter [tilespmem:s25], [sflag:$0x1], $0x80, v4, vm0, $0xb8;
	[tilespmem:$0xE080] =	vst v63  }
0x6a: {  	_ = 	snop  }
0x6b: {  	[hbm4b:s3+s2] =	stream.indirect_vreg.scatter [tilespmem:s26], [sflag:$0x1], $0x80, v3, vm0, $0xb8;
	[tilespmem:$0xE080] =	vst v63  }
0x6c: {  	_ = 	snop  }
0x6d: {  	[hbm4b:s4+s2] =	stream.indirect_vreg.scatter [tilespmem:s28], [sflag:$0x1], $0x80, v3, vm0, $0xb8;
	[tilespmem:$0xE080] =	vst v63  }
0x6e: {  	_ = 	snop  }
0x6f: {  	[hbm4b:s5+s2] =	stream.indirect_vreg.scatter [tilespmem:s29], [sflag:$0x1], $0x80, v3, vm0, $0xb8;
	[tilespmem:$0xE080] =	vst v63  }
0x70: {  	s10 =	rddreg [dreg:$0x4]  }
0x71: {  	[hbm4b:s10+s30] =	stream.indirect.scatter [tilespmem:s9], [sflag:$0x2], $0x80, s2, s30, $0xb8;
	[tilespmem:$0xE080] =	vst v63  }
0x72: {  	p0 =	sne.s32 s6, $0x1;
	_ =	swait.ge [sflag:s31], $0xC000  }
.Ltmp0:
0x73: {  	[sflag:s31] =	ssyncset.done $0x0;
	(pc) =	sbr.rel @p0 .LBB2_1-.Ltmp0, $4  }
0x74: {  	[sflag:s31] =	ssyncadd.s32 $0xFFFF4000  }
0x75: {  	_ =	swait.ge [sflag:s1], $0x2000  }
0x76: {  	[sflag:s1] =	ssyncset.done $0x0  }
0x77: {  	s6 =	sadd.s32 $0xFFFFFFFF, s6;
	[sflag:s1] =	ssyncadd.s32 $0xFFFFE000  }
0x78: {  	_ =	sfence.sel $0x180000  }
0x79: {  	[bflag:$0x0] =	sbarrier.arrive $0xFFFF  }
0x7a: {  	_ =	strace $0x90000047  }
0x7b: {  	s0 =	stileid.u32;
	[bflag:$0x2] =	sbarrier.arrive $0xFFFF  }
0x7c: {  	p0 =	sne.s32 s0, $0x0;
	s0 =	rddreg [dreg:$0x3]  }
0x7d: {  	s0 =	sadd.s32 @!p0 $0x100000, s0  }
0x7e: {  	[sflag:s0] =	ssyncadd.tile.s32 @!p0 $0x1;
	_ =	shalt  }
.Lfunc_end2:
_tile_overlayer_lowered:
.L_overlay_start_2:
0x7f: {  	(tag) =	ssettag $0x2  }
0x80: {  	s0 =	rddreg [dreg:$0x0];
	s2 =	stileid.u32  }
0x81: {  	s1 =	rddreg [dreg:$0x1];
	p0 =	sne.s32 s2, $0x0  }
0x82: {  	s3 =	rddreg [dreg:$0x2];
	[bflag:$0x3] =	sbarrier.arrive $0xFFFF;
	s2 =	simm.s32 @!p0 $0x1C03  }
0x83: {  	[timem:s3], [sflag:s2] =	dma.local @!p0 [hbm:s0], s1  }
0x84: {  	s0 =	simm.s32 @!p0 $0x3  }
0x85: {  	_ =	swait.ge @!p0 [sflag:s0], s1  }
0x86: {  	s1 =	ssub.s32 @!p0 $0x0, s1;
	[sflag:s0] =	ssyncset.done @!p0 $0x0  }
0x87: {  	[sflag:s0] =	ssyncadd.s32 @!p0 s1  }
0x88: {  	[bflag:$0x3] =	sbarrier.arrive $0xFFFF  }
0x89: {  	_ =	shalt  }

// kernel: kernel.9.cloned.1.call-start
scs
__scs_entry_jumppad:
0x0: {  	(pc) =	sbr.rel $0x88, $3  }
0x1: {  	(tag) =	ssettag $0x0;
	lr =	simm.s32 $0x1  }
0x2: {  	[smem:$0x3F9C] =	sst lr;
	_ =	strace $0xD0000000  }
0x3: {  	_ = 	snop  }
0x4: {  	_ = 	snop  }
0x5: {  	_ = 	snop  }
0x6: {  	_ = 	snop  }
0x7: {  	_ = 	snop  }
__scs_overlays_trampoline_lowered:
0x8: {  	[smem:$0x3FAB] =	sst s0  }
0x9: {  	[smem:$0x3FAC] =	sst s1  }
0xa: {  	[smem:$0x3FAD] =	sst s2  }
0xb: {  	[smem:$0x3FAE] =	sst s3  }
0xc: {  	[smem:$0x3FAF] =	sst s4  }
0xd: {  	[smem:$0x3FB0] =	sst s5  }
0xe: {  	[smem:$0x3FB1] =	sst s6  }
0xf: {  	[smem:$0x3FB2] =	sst s7  }
0x10: {  	[smem:$0x3FB3] =	sst s8  }
0x11: {  	[smem:$0x3FB4] =	sst s9;
	s0 =	simm.s32 @!p0 $0x0  }
0x12: {  	s1 =	sld [smem:$0x3F9A];
	s0 =	simm.s32 @p0 $0x1  }
0x13: {  	[smem:$0x3FB5] =	sst s0;
	s0 =	simm.s32 @!p1 $0x0  }
0x14: {  	s2 =	sld [smem:$0x3F99];
	s0 =	simm.s32 @p1 $0x1  }
0x15: {  	[smem:$0x3FB6] =	sst s0;
	s0 =	simm.s32 @!p2 $0x0  }
0x16: {  	s3 =	sld [smem:$0x3FDB];
	s0 =	simm.s32 @p2 $0x1  }
0x17: {  	s4 =	simm.s32 $0x1BF5;
	[smem:$0x3FB8] =	sst s0  }
0x18: {  	s0 =	sld [smem:$0x3F9B];
	_ =	swait.ge [sflag:s4], $0x0  }
0x19: {  	s7 =	sld [smem:$0x3F9C]  }
0x1a: {  	s8 =	sadd.s32 $0xFFFFE003, lr  }
0x1b: {  	s9 =	sadd.s32 $0xFFFFFEF7, lr;
	s5 =	simm.s32 $0xFFFFFFFF;
	p2 =	slt.u32 s8, $0xFFFFF086  }
0x1c: {  	p1 =	slt.u32 s9, $0xF7A;
	s5 =	simm.s32 @!p2 $0x0  }
0x1d: {  	s5 =	simm.s32 @p1 $0x1;
	p0 =	seq.s32 s7, s2  }
0x1e: {  	s7 =	smul.u32 @!p0 $0xF7A, s2;
	p2 =	seq.s32 @!p0 s5, $0x0  }
0x1f: {  	s9 =	smul.u32 $0xF7A, s1;
	s8 =	simm.s32 @!p0 $0x1BF5;
	p2 =	por !p2, p0  }
0x20: {  	[sflag:s8] =	ssyncset.s32 @!p0 $0xFFFFF086;
	s6 =	sadd.s32 @!p0 s3, s7;
	s7 =	simm.s32 @!p0 $0x108  }
0x21: {  	s3 =	sadd.s32 s3, s9;
	s6 =	sadd.s32 @!p0 $0x88, s6;
	s7 =	simm.s32 @p2 $0x1082  }
0x22: {  	[simem:s7], [sflag:s8] =	dma.local @!p0 [hbm:s6], $0xF7A  }
0x23: {  	s9 =	sor.u32 $0xD0000000, s2;
	s6 =	simm.s32 $0x108;
	_ =	swait.ge @!p0 [sflag:s8], $0x0  }
0x24: {  	s3 =	sadd.s32 $0x88, s3;
	s6 =	simm.s32 @!p1 $0x1082;
	[sflag:s4] =	ssyncset.s32 $0xFFFFF086  }
0x25: {  	[simem:s6], [sflag:s4] =	dma.local [hbm:s3], $0xF7A  }
0x26: {  	[smem:$0x3F9C] =	sst s1;
	(tag) =	ssettag s2;
	_ =	strace s9  }
0x27: {  	s1 =	sld [smem:$0x3FAC]  }
0x28: {  	s2 =	sld [smem:$0x3FAD]  }
0x29: {  	s4 =	sld [smem:$0x3FAF]  }
0x2a: {  	p0 =	seq.s32 s5, $0x0;
	s5 =	sld [smem:$0x3FB0]  }
0x2b: {  	s6 =	sld [smem:$0x3FB1]  }
0x2c: {  	s7 =	sld [smem:$0x3FB2]  }
0x2d: {  	s3 =	simm.s32 $0x108;
	s8 =	sld [smem:$0x3FB3]  }
0x2e: {  	s3 =	simm.s32 @!p0 $0x1082;
	s9 =	sld [smem:$0x3FB4]  }
0x2f: {  	lr =	sadd.s32 s0, s3;
	s0 =	sld [smem:$0x3FAB]  }
0x30: {  	s3 =	sld [smem:$0x3FAE]  }
0x31: {  	[smem:$0x3FB7] =	sst s10  }
0x32: {  	s10 =	sld [smem:$0x3FB5];
	_ =	sdelay $0x3  }
0x33: {  	p0 =	seq.s32 s10, $0x1;
	s10 =	sld [smem:$0x3FB7];
	_ =	sdelay $0x3  }
0x34: {  	[smem:$0x3FB7] =	sst s10  }
0x35: {  	s10 =	sld [smem:$0x3FB6];
	_ =	sdelay $0x3  }
0x36: {  	p1 =	seq.s32 s10, $0x1;
	s10 =	sld [smem:$0x3FB7];
	_ =	sdelay $0x3  }
0x37: {  	[smem:$0x3FB7] =	sst s10  }
0x38: {  	s10 =	sld [smem:$0x3FB8]  }
0x39: {  	_ = 	snop;
	(pc) =	sbr.ind lr, $3  }
0x3a: {  	_ = 	snop  }
0x3b: {  	_ = 	snop  }
0x3c: {  	p2 =	seq.s32 s10, $0x1;
	s10 =	sld [smem:$0x3FB7]  }
0x3d: {  	_ =	shalt  }
0x3e: {  	_ =	shalt  }
0x3f: {  	_ =	shalt  }
0x40: {  	_ =	shalt  }
0x41: {  	_ =	shalt  }
0x42: {  	_ =	shalt  }
0x43: {  	_ =	shalt  }
0x44: {  	_ =	shalt  }
0x45: {  	_ =	shalt  }
0x46: {  	_ =	shalt  }
0x47: {  	_ =	shalt  }
0x48: {  	_ =	shalt  }
0x49: {  	_ =	shalt  }
0x4a: {  	_ =	shalt  }
0x4b: {  	_ =	shalt  }
0x4c: {  	_ =	shalt  }
0x4d: {  	_ =	shalt  }
0x4e: {  	_ =	shalt  }
0x4f: {  	_ =	shalt  }
0x50: {  	_ =	shalt  }
0x51: {  	_ =	shalt  }
0x52: {  	_ =	shalt  }
0x53: {  	_ =	shalt  }
0x54: {  	_ =	shalt  }
0x55: {  	_ =	shalt  }
0x56: {  	_ =	shalt  }
0x57: {  	_ =	shalt  }
0x58: {  	_ =	shalt  }
0x59: {  	_ =	shalt  }
0x5a: {  	_ =	shalt  }
0x5b: {  	_ =	shalt  }
0x5c: {  	_ =	shalt  }
0x5d: {  	_ =	shalt  }
0x5e: {  	_ =	shalt  }
0x5f: {  	_ =	shalt  }
0x60: {  	_ =	shalt  }
0x61: {  	_ =	shalt  }
0x62: {  	_ =	shalt  }
0x63: {  	_ =	shalt  }
0x64: {  	_ =	shalt  }
0x65: {  	_ =	shalt  }
0x66: {  	_ =	shalt  }
0x67: {  	_ =	shalt  }
0x68: {  	_ =	shalt  }
0x69: {  	_ =	shalt  }
0x6a: {  	_ =	shalt  }
0x6b: {  	_ =	shalt  }
0x6c: {  	_ =	shalt  }
0x6d: {  	_ =	shalt  }
0x6e: {  	_ =	shalt  }
0x6f: {  	_ =	shalt  }
0x70: {  	_ =	shalt  }
0x71: {  	_ =	shalt  }
0x72: {  	_ =	shalt  }
0x73: {  	_ =	shalt  }
0x74: {  	_ =	shalt  }
0x75: {  	_ =	shalt  }
0x76: {  	_ =	shalt  }
0x77: {  	_ =	shalt  }
0x78: {  	_ =	shalt  }
0x79: {  	_ =	shalt  }
0x7a: {  	_ =	shalt  }
0x7b: {  	_ =	shalt  }
0x7c: {  	_ =	shalt  }
0x7d: {  	_ =	shalt  }
0x7e: {  	_ =	shalt  }
0x7f: {  	_ =	shalt  }
0x80: {  	_ =	shalt  }
0x81: {  	_ =	shalt  }
0x82: {  	_ =	shalt  }
0x83: {  	_ =	shalt  }
0x84: {  	_ =	shalt  }
0x85: {  	_ =	shalt  }
0x86: {  	_ =	shalt  }
0x87: {  	_ =	shalt  }
.Lfunc_end0:
.L_simem_size_0:
called_computation.1_lowered:
.L_overlay_start_0:
0x88: {  	s2 =	sld [smem:$0x3FD9]  }
0x89: {  	s3 =	sld [smem:$0x3FFE];
	_ =	sdelay $0x1  }
0x8a: {  	s1 =	srdreg.scid  }
0x8b: {  	s0 =	sand.u32 $0x1, s1  }
0x8c: {  	s16 =	sshll.u32 s0, $0xA;
	s2 =	sadd.s32 s3, s2  }
0x8d: {  	s2 =	sadd.s32 s2, s16  }
0x8e: {  	[smem:$0x3FC3] =	sst s2  }
0x8f: {  	_ = 	snop  }
0x90: {  	(tm) =	ssettm $0x1  }
0x91: {  	s17 =	sld [smem:$0x3FFB];
	_ =	sdelay $0x3  }
0x92: {  	_ =	strace s17  }
0x93: {  	s2 =	sld [smem:$0x3FFC];
	_ =	sdelay $0x3  }
0x94: {  	_ =	strace s2  }
0x95: {  	s2 =	sld [smem:$0x3FFD];
	_ =	sdelay $0x3  }
0x96: {  	_ =	strace s2  }
0x97: {  	_ =	strace $0x8FFFFFFF  }
0x98: {  	s18 =	sld [smem:$0x3FDB];
	_ =	sdelay $0x1  }
0x99: {  	s19 =	simm.s32 $_scs_section_size  }
0x9a: {  	s4 =	simm.s32 $_size__tile_overlayer_lowered;
	s5 =	simm.s32 $_tile_overlayer_lowered  }
0x9b: {  	s22 =	simm.s32 $0x1BFF;
	s21 =	sshll.u32 s5, $0x1;
	s2 =	sadd.s32 s19, s18  }
0x9c: {  	s6 =	simm.s32 $0x0;
	s20 =	sshll.u32 s4, $0x1;
	s4 =	sadd.s32 s21, s2  }
0x9d: {  	[timem:s6], [sflag:s22] =	dma.local [hbm:s4], s20  }
0x9e: {  	_ =	swait.ge [sflag:s22], s20  }
0x9f: {  	s3 =	ssub.s32 $0x0, s20;
	[sflag:s22] =	ssyncset.done $0x0  }
0xa0: {  	[sflag:s22] =	ssyncadd.s32 s3;
	_ =	sdelay $0x1  }
0xa1: {  	s23 =	simm.s32 $0x1B8B  }
0xa2: {  	_ =	swait.ge [sflag:s23], $0x1  }
0xa3: {  	[sflag:s23] =	ssyncset.done $0x0  }
0xa4: {  	s25 =	simm.s32 $0x1B8E;
	s24 =	sld [smem:$0x3FFE];
	[sflag:s23] =	ssyncadd.s32 $0xFFFFFFFF  }
0xa5: {  	s26 =	simm.s32 $execute0_lowered;
	[smem:$0x3FD2] =	sst s25  }
0xa6: {  	s4 =	sshll.u32 s26, $0x1;
	_ =	strace $0x80000049;
	[dreg:$0x1] =	wrdreg $0xFFFFFFFF  }
0xa7: {  	s28 =	simm.s32 $_size_execute0_lowered;
	s2 =	sadd.s32 s2, s4;
	[dreg:$0x0] =	wrdreg $0x0  }
0xa8: {  	s4 =	sshll.u32 s28, $0x1;
	[dreg:$0x2] =	wrdreg s2  }
0xa9: {  	[dreg:$0x3] =	wrdreg s4  }
0xaa: {  	[dreg:$0x4] =	wrdreg $0xC0  }
0xab: {  	_ =	task [dreg:s6], $0x5FFFF  }
0xac: {  	[dreg:$0x1] =	wrdreg $0xFFFFFFFF  }
0xad: {  	[dreg:$0x0] =	wrdreg $0x60  }
0xae: {  	[dreg:$0x2] =	wrdreg s24  }
0xaf: {  	[dreg:$0x3] =	wrdreg $0x9  }
0xb0: {  	_ =	task.clear_ibuf [dreg:s6], $0x4FFFF;
	_ =	strace $0x90000049  }
0xb1: {  	s29 =	simm.s32 $0x9;
	_ =	strace $0x8000004B  }
0xb2: {  	_ =	swait.ge [sflag:s29], $0x1  }
0xb3: {  	[sflag:s29] =	ssyncadd.s32 $0xFFFFFFFF  }
0xb4: {  	_ =	strace $0x9000004B  }
0xb5: {  	_ =	sfence  }
0xb6: {  	s30 =	sld [smem:$0x0];
	_ =	sdelay $0x2  }
0xb7: {  	s31 =	sshll.u32 s1, $0xD;
	s1 =	sshrl.u32 s1, $0x2  }
0xb8: {  	s3 =	sand.u32 $0x4000, s31;
	s1 =	sadd.s32 s1, s30  }
0xb9: {  	s0 =	sor.u32 s3, s0;
	s1 =	sshll.u32 s1, $0x11  }
0xba: {  	s0 =	sor.u32 s1, s0  }
0xbb: {  	s0 =	sadd.s32 $0x8F2B, s0  }
0xbc: {  	[sflag:s0] =	ssyncadd.remote.s32 $0x1  }
0xbd: {  	_ =	sfence.sel $0xFFFF  }
0xbe: {  	[dreg:$0x0] =	wrdreg $0xFFFFFFFF;
	(pc) =	sbr.abs _section_cstart, $3  }
0xbf: {  	[dreg:$0x1] =	wrdreg $0xFFFFFFFF  }
0xc0: {  	_ =	task.clear_ibuf [dreg:s6], $0x2FFFF;
	_ =	strace $0x9FFFFFFF  }
0xc1: {  	(tm) =	ssettm $0x7FFFFFFF  }
tec
execute0_lowered:
.L_overlay_start_1:
0x0: {  	(tag) =	ssettag $0x1  }
0x1: {  	s1 =	srdreg.scid;
	s0 =	stileid.u32  }
0x2: {  	s5 =	rddreg [dreg:$0x0];
	s15 =	simm.s32 $0x880;
	s16 =	simm.s32 $0x1080  }
0x3: {  	s17 =	simm.s32 $0x1880;
	s1 =	sand.u32 $0x1, s1;
	s2 =	sshll.u32 s0, $0x1  }
0x4: {  	s18 =	simm.s32 $0x2080;
	s3 =	sor.u32 s1, s2;
	s2 =	simm.s32 $0x0  }
0x5: {  	s19 =	simm.s32 $0x2880;
	s20 =	simm.s32 $0x3080;
	[smem:$0x7FF] =	sst s2  }
0x6: {  	s21 =	simm.s32 $0x3880;
	_ =	strace $0x8000004A;
	[dreg:$0x4] =	wrdreg s15  }
0x7: {  	s22 =	simm.s32 $0x4080;
	s23 =	simm.s32 $0x4880;
	[dreg:$0x5] =	wrdreg s16  }
0x8: {  	s7 =	simm.s32 $0x5080;
	s24 =	simm.s32 $0x5880;
	[dreg:$0x6] =	wrdreg s17  }
0x9: {  	s25 =	simm.s32 $0x6080;
	s8 =	simm.s32 $0x80;
	[dreg:$0x7] =	wrdreg s18  }
0xa: {  	s26 =	simm.s32 $0x6880;
	s10 =	simm.s32 $0x7880;
	[dreg:$0x8] =	wrdreg s19  }
0xb: {  	s11 =	simm.s32 $0x8080;
	s12 =	simm.s32 $0x8880;
	[dreg:$0x9] =	wrdreg s20  }
0xc: {  	s13 =	simm.s32 $0x9080;
	s14 =	simm.s32 $0x9880;
	[dreg:$0xa] =	wrdreg s21  }
0xd: {  	s28 =	simm.s32 $0x10080;
	s29 =	simm.s32 $0x10880;
	[dreg:$0xb] =	wrdreg s22  }
0xe: {  	s30 =	simm.s32 $0x11080;
	s31 =	simm.s32 $0x11880;
	[dreg:$0xc] =	wrdreg s23  }
0xf: {  	s1 =	ssub.s32 $0x2, s1;
	s4 =	smul.u32 $0xC, s3;
	[dreg:$0xd] =	wrdreg s7  }
0x10: {  	s3 =	smul.u32 $0x2400, s3;
	s6 =	sshrl.u32 s1, $0x1;
	[dreg:$0xe] =	wrdreg s24  }
0x11: {  	s1 =	ssub.s32 s1, s6;
	s7 =	simm.s32 $0x2;
	[dreg:$0xf] =	wrdreg s25  }
0x12: {  	[dreg:$0x10] =	wrdreg s26;
	s15 =	simm.s32 $0xA080;
	s16 =	simm.s32 $0xA880  }
0x13: {  	s17 =	simm.s32 $0xB080;
	s18 =	simm.s32 $0xB880;
	s19 =	simm.s32 $0xC080  }
0x14: {  	s20 =	simm.s32 $0xC880;
	s21 =	simm.s32 $0xD080;
	s22 =	simm.s32 $0xD880  }
0x15: {  	s23 =	simm.s32 $0xE080;
	s24 =	simm.s32 $0xE880;
	s4 =	sadd.s32 s4, s5  }
0x16: {  	s25 =	simm.s32 $0xF080;
	s3 =	sadd.s32 s3, s5;
	s4 =	sadd.s32 $0x51200, s4  }
0x17: {  	v2 =	vlaneseq.u32;
	s26 =	simm.s32 $0xF880;
	s3 =	sadd.s32 $0x51400, s3;
	[dreg:$0x2] =	wrdreg s4  }
0x18: {  	vm0 =	vmmov $0xffff;
	v1 =	vshrl.u32 v2, $0x3;
	s6 =	smax.u32 s1, $0x1;
	s1 =	simm.s32 $0x1;
	[dreg:$0x3] =	wrdreg s3  }
0x19: {  	v0 =	vand.u32 $0x7, v2;
	v2 =	vor.u32 $0x8, v2;
	v1 =	vmul.u32 $0x8, v1;
	s3 =	sadd.s32 $0x99400, s5;
	s4 =	sadd.s32 $0x99500, s5;
	s5 =	sadd.s32 $0x99600, s5  }
.LBB2_1:
0x1a: {  	s0 =	rddreg [dreg:$0x2]  }
0x1b: {  	[tilespmem:s2], [sflag:$0x2] =	stream.linear.gather [hbm4b:s0+s2], $0x60, $0x38;
	[tilespmem:$0x12080] =	vst v63  }
0x1c: {  	_ =	swait.ge [sflag:s7], $0x60  }
0x1d: {  	[sflag:s7] =	ssyncset.done $0x0  }
0x1e: {  	s9 =	rddreg [dreg:$0x3];
	[sflag:s7] =	ssyncadd.s32 $0xFFFFFFA0  }
0x1f: {  	[tilespmem:s8], [sflag:$0x2] =	stream.linear.gather [hbm4b:s9+s2], $0x12000, $0x38;
	[tilespmem:$0x12080] =	vst v63  }
0x20: {  	_ =	swait.ge [sflag:s7], $0x12000  }
0x21: {  	[sflag:s7] =	ssyncset.done $0x0  }
0x22: {  	[sflag:s7] =	ssyncadd.s32 $0xFFFEE000  }
0x23: {  	v3 =	vld [tilespmem:$0x0];
	_ =	sdelay $0x4  }
0x24: {  	v4 =	vshrl.u32 v3, $0x3  }
0x25: {  	v4 =	vmul.u32 $0x30, v4  }
0x26: {  	v3 =	vand.u32 $0x7, v3  }
0x27: {  	v3 =	vor.u32 v3, v4  }
0x28: {  	v4 =	vperm.xlane v3, v0;
	_ =	sdelay $0x1  }
0x29: {  	v4 =	vadd.s32 v1, v4;
	_ =	sdelay $0x3  }
0x2a: {  	v3 =	vperm.xlane v3, v2  }
0x2b: {  	[hbm4b:s3+s2] =	stream.indirect_vreg.scatter [tilespmem:s8], [sflag:$0x1], $0x80, v4, vm0, $0xb8;
	[tilespmem:$0x12080] =	vst v63  }
0x2c: {  	s0 =	rddreg [dreg:$0x4];
	v3 =	vadd.s32 v1, v3  }
0x2d: {  	[hbm4b:s4+s2] =	stream.indirect_vreg.scatter [tilespmem:s0], [sflag:$0x1], $0x80, v4, vm0, $0xb8;
	[tilespmem:$0x12080] =	vst v63  }
0x2e: {  	s9 =	rddreg [dreg:$0x5]  }
0x2f: {  	[hbm4b:s5+s2] =	stream.indirect_vreg.scatter [tilespmem:s9], [sflag:$0x1], $0x80, v4, vm0, $0xb8;
	[tilespmem:$0x12080] =	vst v63  }
0x30: {  	s0 =	rddreg [dreg:$0x6]  }
0x31: {  	[hbm4b:s3+s2] =	stream.indirect_vreg.scatter [tilespmem:s0], [sflag:$0x1], $0x80, v3, vm0, $0xb8;
	[tilespmem:$0x12080] =	vst v63  }
0x32: {  	s9 =	rddreg [dreg:$0x7]  }
0x33: {  	[hbm4b:s4+s2] =	stream.indirect_vreg.scatter [tilespmem:s9], [sflag:$0x1], $0x80, v3, vm0, $0xb8;
	[tilespmem:$0x12080] =	vst v63  }
0x34: {  	s0 =	rddreg [dreg:$0x8]  }
0x35: {  	[hbm4b:s5+s2] =	stream.indirect_vreg.scatter [tilespmem:s0], [sflag:$0x1], $0x80, v3, vm0, $0xb8;
	[tilespmem:$0x12080] =	vst v63  }
0x36: {  	v3 =	vld [tilespmem:$0x10];
	_ =	sdelay $0x4  }
0x37: {  	v59 =	vshrl.u32 v3, $0x3  }
0x38: {  	v4 =	vmul.u32 $0x30, v59  }
0x39: {  	v3 =	vand.u32 $0x7, v3  }
0x3a: {  	v3 =	vor.u32 v3, v4  }
0x3b: {  	v4 =	vperm.xlane v3, v0;
	_ =	sdelay $0x1  }
0x3c: {  	v4 =	vadd.s32 v1, v4;
	_ =	sdelay $0x3  }
0x3d: {  	s0 =	rddreg [dreg:$0x9];
	v3 =	vperm.xlane v3, v2  }
0x3e: {  	[hbm4b:s3+s2] =	stream.indirect_vreg.scatter [tilespmem:s0], [sflag:$0x1], $0x80, v4, vm0, $0xb8;
	[tilespmem:$0x12080] =	vst v63  }
0x3f: {  	s9 =	rddreg [dreg:$0xa];
	v3 =	vadd.s32 v1, v3  }
0x40: {  	[hbm4b:s4+s2] =	stream.indirect_vreg.scatter [tilespmem:s9], [sflag:$0x1], $0x80, v4, vm0, $0xb8;
	[tilespmem:$0x12080] =	vst v63  }
0x41: {  	s0 =	rddreg [dreg:$0xb]  }
0x42: {  	[hbm4b:s5+s2] =	stream.indirect_vreg.scatter [tilespmem:s0], [sflag:$0x1], $0x80, v4, vm0, $0xb8;
	[tilespmem:$0x12080] =	vst v63  }
0x43: {  	s9 =	rddreg [dreg:$0xc]  }
0x44: {  	[hbm4b:s3+s2] =	stream.indirect_vreg.scatter [tilespmem:s9], [sflag:$0x1], $0x80, v3, vm0, $0xb8;
	[tilespmem:$0x12080] =	vst v63  }
0x45: {  	s0 =	rddreg [dreg:$0xd]  }
0x46: {  	[hbm4b:s4+s2] =	stream.indirect_vreg.scatter [tilespmem:s0], [sflag:$0x1], $0x80, v3, vm0, $0xb8;
	[tilespmem:$0x12080] =	vst v63  }
0x47: {  	s9 =	rddreg [dreg:$0xe]  }
0x48: {  	[hbm4b:s5+s2] =	stream.indirect_vreg.scatter [tilespmem:s9], [sflag:$0x1], $0x80, v3, vm0, $0xb8;
	[tilespmem:$0x12080] =	vst v63  }
0x49: {  	v3 =	vld [tilespmem:$0x20];
	_ =	sdelay $0x4  }
0x4a: {  	v60 =	vshrl.u32 v3, $0x3  }
0x4b: {  	v4 =	vmul.u32 $0x30, v60  }
0x4c: {  	v3 =	vand.u32 $0x7, v3  }
0x4d: {  	v3 =	vor.u32 v3, v4  }
0x4e: {  	v4 =	vperm.xlane v3, v0;
	_ =	sdelay $0x1  }
0x4f: {  	v4 =	vadd.s32 v1, v4;
	_ =	sdelay $0x3  }
0x50: {  	s0 =	rddreg [dreg:$0xf];
	v3 =	vperm.xlane v3, v2  }
0x51: {  	[hbm4b:s3+s2] =	stream.indirect_vreg.scatter [tilespmem:s0], [sflag:$0x1], $0x80, v4, vm0, $0xb8;
	[tilespmem:$0x12080] =	vst v63  }
0x52: {  	s9 =	rddreg [dreg:$0x10];
	v3 =	vadd.s32 v1, v3  }
0x53: {  	[hbm4b:s4+s2] =	stream.indirect_vreg.scatter [tilespmem:s9], [sflag:$0x1], $0x80, v4, vm0, $0xb8;
	[tilespmem:$0x12080] =	vst v63  }
0x54: {  	s9 =	simm.s32 $0x7080  }
0x55: {  	[hbm4b:s5+s2] =	stream.indirect_vreg.scatter [tilespmem:s9], [sflag:$0x1], $0x80, v4, vm0, $0xb8;
	[tilespmem:$0x12080] =	vst v63  }
0x56: {  	_ = 	snop  }
0x57: {  	[hbm4b:s3+s2] =	stream.indirect_vreg.scatter [tilespmem:s10], [sflag:$0x1], $0x80, v3, vm0, $0xb8;
	[tilespmem:$0x12080] =	vst v63  }
0x58: {  	_ = 	snop  }
0x59: {  	[hbm4b:s4+s2] =	stream.indirect_vreg.scatter [tilespmem:s11], [sflag:$0x1], $0x80, v3, vm0, $0xb8;
	[tilespmem:$0x12080] =	vst v63  }
0x5a: {  	_ = 	snop  }
0x5b: {  	[hbm4b:s5+s2] =	stream.indirect_vreg.scatter [tilespmem:s12], [sflag:$0x1], $0x80, v3, vm0, $0xb8;
	[tilespmem:$0x12080] =	vst v63  }
0x5c: {  	v3 =	vld [tilespmem:$0x30];
	_ =	sdelay $0x4  }
0x5d: {  	v61 =	vshrl.u32 v3, $0x3  }
0x5e: {  	v4 =	vmul.u32 $0x30, v61  }
0x5f: {  	v3 =	vand.u32 $0x7, v3  }
0x60: {  	v3 =	vor.u32 v3, v4  }
0x61: {  	v4 =	vperm.xlane v3, v0;
	_ =	sdelay $0x1  }
0x62: {  	v4 =	vadd.s32 v1, v4;
	_ =	sdelay $0x3  }
0x63: {  	v3 =	vperm.xlane v3, v2  }
0x64: {  	[hbm4b:s3+s2] =	stream.indirect_vreg.scatter [tilespmem:s13], [sflag:$0x1], $0x80, v4, vm0, $0xb8;
	[tilespmem:$0x12080] =	vst v63  }
0x65: {  	v3 =	vadd.s32 v1, v3  }
0x66: {  	[hbm4b:s4+s2] =	stream.indirect_vreg.scatter [tilespmem:s14], [sflag:$0x1], $0x80, v4, vm0, $0xb8;
	[tilespmem:$0x12080] =	vst v63  }
0x67: {  	_ = 	snop  }
0x68: {  	[hbm4b:s5+s2] =	stream.indirect_vreg.scatter [tilespmem:s15], [sflag:$0x1], $0x80, v4, vm0, $0xb8;
	[tilespmem:$0x12080] =	vst v63  }
0x69: {  	_ = 	snop  }
0x6a: {  	[hbm4b:s3+s2] =	stream.indirect_vreg.scatter [tilespmem:s16], [sflag:$0x1], $0x80, v3, vm0, $0xb8;
	[tilespmem:$0x12080] =	vst v63  }
0x6b: {  	_ = 	snop  }
0x6c: {  	[hbm4b:s4+s2] =	stream.indirect_vreg.scatter [tilespmem:s17], [sflag:$0x1], $0x80, v3, vm0, $0xb8;
	[tilespmem:$0x12080] =	vst v63  }
0x6d: {  	_ = 	snop  }
0x6e: {  	[hbm4b:s5+s2] =	stream.indirect_vreg.scatter [tilespmem:s18], [sflag:$0x1], $0x80, v3, vm0, $0xb8;
	[tilespmem:$0x12080] =	vst v63  }
0x6f: {  	v3 =	vld [tilespmem:$0x40];
	_ =	sdelay $0x4  }
0x70: {  	v62 =	vshrl.u32 v3, $0x3  }
0x71: {  	v4 =	vmul.u32 $0x30, v62  }
0x72: {  	v3 =	vand.u32 $0x7, v3  }
0x73: {  	v3 =	vor.u32 v3, v4  }
0x74: {  	v4 =	vperm.xlane v3, v0;
	_ =	sdelay $0x1  }
0x75: {  	v4 =	vadd.s32 v1, v4;
	_ =	sdelay $0x3  }
0x76: {  	v3 =	vperm.xlane v3, v2  }
0x77: {  	[hbm4b:s3+s2] =	stream.indirect_vreg.scatter [tilespmem:s19], [sflag:$0x1], $0x80, v4, vm0, $0xb8;
	[tilespmem:$0x12080] =	vst v63  }
0x78: {  	v3 =	vadd.s32 v1, v3  }
0x79: {  	[hbm4b:s4+s2] =	stream.indirect_vreg.scatter [tilespmem:s20], [sflag:$0x1], $0x80, v4, vm0, $0xb8;
	[tilespmem:$0x12080] =	vst v63  }
0x7a: {  	_ = 	snop  }
0x7b: {  	[hbm4b:s5+s2] =	stream.indirect_vreg.scatter [tilespmem:s21], [sflag:$0x1], $0x80, v4, vm0, $0xb8;
	[tilespmem:$0x12080] =	vst v63  }
0x7c: {  	_ = 	snop  }
0x7d: {  	[hbm4b:s3+s2] =	stream.indirect_vreg.scatter [tilespmem:s22], [sflag:$0x1], $0x80, v3, vm0, $0xb8;
	[tilespmem:$0x12080] =	vst v63  }
0x7e: {  	_ = 	snop  }
0x7f: {  	[hbm4b:s4+s2] =	stream.indirect_vreg.scatter [tilespmem:s23], [sflag:$0x1], $0x80, v3, vm0, $0xb8;
	[tilespmem:$0x12080] =	vst v63  }
0x80: {  	_ = 	snop  }
0x81: {  	[hbm4b:s5+s2] =	stream.indirect_vreg.scatter [tilespmem:s24], [sflag:$0x1], $0x80, v3, vm0, $0xb8;
	[tilespmem:$0x12080] =	vst v63  }
0x82: {  	v3 =	vld [tilespmem:$0x50];
	_ =	sdelay $0x4  }
0x83: {  	v63 =	vshrl.u32 v3, $0x3  }
0x84: {  	v4 =	vmul.u32 $0x30, v63  }
0x85: {  	v3 =	vand.u32 $0x7, v3  }
0x86: {  	v3 =	vor.u32 v3, v4  }
0x87: {  	v4 =	vperm.xlane v3, v0;
	_ =	sdelay $0x1  }
0x88: {  	v4 =	vadd.s32 v1, v4;
	_ =	sdelay $0x3  }
0x89: {  	v3 =	vperm.xlane v3, v2  }
0x8a: {  	[hbm4b:s3+s2] =	stream.indirect_vreg.scatter [tilespmem:s25], [sflag:$0x1], $0x80, v4, vm0, $0xb8;
	[tilespmem:$0x12080] =	vst v63  }
0x8b: {  	v3 =	vadd.s32 v1, v3  }
0x8c: {  	[hbm4b:s4+s2] =	stream.indirect_vreg.scatter [tilespmem:s26], [sflag:$0x1], $0x80, v4, vm0, $0xb8;
	[tilespmem:$0x12080] =	vst v63  }
0x8d: {  	_ = 	snop  }
0x8e: {  	[hbm4b:s5+s2] =	stream.indirect_vreg.scatter [tilespmem:s28], [sflag:$0x1], $0x80, v4, vm0, $0xb8;
	[tilespmem:$0x12080] =	vst v63  }
0x8f: {  	_ = 	snop  }
0x90: {  	[hbm4b:s3+s2] =	stream.indirect_vreg.scatter [tilespmem:s29], [sflag:$0x1], $0x80, v3, vm0, $0xb8;
	[tilespmem:$0x12080] =	vst v63  }
0x91: {  	p0 =	sne.s32 s6, $0x1  }
0x92: {  	[hbm4b:s4+s2] =	stream.indirect_vreg.scatter [tilespmem:s30], [sflag:$0x1], $0x80, v3, vm0, $0xb8;
	[tilespmem:$0x12080] =	vst v63  }
.Ltmp0:
0x93: {  	_ = 	snop;
	(pc) =	sbr.rel @p0 .LBB2_1-.Ltmp0, $4  }
0x94: {  	[hbm4b:s5+s2] =	stream.indirect_vreg.scatter [tilespmem:s31], [sflag:$0x1], $0x80, v3, vm0, $0xb8;
	[tilespmem:$0x12080] =	vst v63  }
0x95: {  	_ =	swait.ge [sflag:s1], $0x12000  }
0x96: {  	[sflag:s1] =	ssyncset.done $0x0  }
0x97: {  	s6 =	sadd.s32 $0xFFFFFFFF, s6;
	[sflag:s1] =	ssyncadd.s32 $0xFFFEE000  }
0x98: {  	_ =	sfence.sel $0x180000  }
0x99: {  	[bflag:$0x0] =	sbarrier.arrive $0xFFFF  }
0x9a: {  	_ =	strace $0x9000004A  }
0x9b: {  	s0 =	stileid.u32;
	[bflag:$0x2] =	sbarrier.arrive $0xFFFF  }
0x9c: {  	p0 =	sne.s32 s0, $0x0;
	s0 =	rddreg [dreg:$0x1]  }
0x9d: {  	s0 =	sadd.s32 @!p0 $0x100000, s0  }
0x9e: {  	[sflag:s0] =	ssyncadd.tile.s32 @!p0 $0x1;
	_ =	shalt  }
.Lfunc_end2:
_tile_overlayer_lowered:
.L_overlay_start_2:
0x9f: {  	(tag) =	ssettag $0x2  }
0xa0: {  	s0 =	rddreg [dreg:$0x0];
	s2 =	stileid.u32  }
0xa1: {  	s1 =	rddreg [dreg:$0x1];
	p0 =	sne.s32 s2, $0x0  }
0xa2: {  	s3 =	rddreg [dreg:$0x2];
	[bflag:$0x3] =	sbarrier.arrive $0xFFFF;
	s2 =	simm.s32 @!p0 $0x1C02  }
0xa3: {  	[timem:s3], [sflag:s2] =	dma.local @!p0 [hbm:s0], s1  }
0xa4: {  	s0 =	simm.s32 @!p0 $0x2  }
0xa5: {  	_ =	swait.ge @!p0 [sflag:s0], s1  }
0xa6: {  	s1 =	ssub.s32 @!p0 $0x0, s1;
	[sflag:s0] =	ssyncset.done @!p0 $0x0  }
0xa7: {  	[sflag:s0] =	ssyncadd.s32 @!p0 s1  }
0xa8: {  	[bflag:$0x3] =	sbarrier.arrive $0xFFFF  }
0xa9: {  	_ =	shalt  }

</sc_bundles>
